<compile_context>
chip_gen: v7x
topology: tpu7x:2x2x1
jax: 0.10.2.dev20260603
libtpu: 0.0.44.dev20260713+nightly
codegen_flags: <defaults>
</compile_context>

<pallas_src>
import functools

import jax
import jax.numpy as jnp
from jax import lax
from jax.experimental import pallas as pl
from jax.experimental.pallas import tpu as pltpu
from jax.experimental.pallas import tpu_sc as plsc

B, OD, AD = 256, 48, 16
D = OD + AD
M = 250000
K = 10
W = 2048
T = (M + W - 1) // W
AUGPAD = 128
AUG = AUGPAD + W

NW = 32
QPW = B // NW

_DN = (((1,), (1,)), ((), ()))


def _tc_body(q_ref, mo_ref, ma_ref, bdo_ref, bio_ref, bd_ref, bi_ref, s_ref,
             f_ref, fg_ref):
    t = pl.program_id(0)

    @pl.when(t == 0)
    def _init():
        bd_ref[...] = jnp.full((B, AUGPAD), jnp.inf, jnp.float32)
        bi_ref[...] = jnp.zeros((B, AUGPAD), jnp.int32)

    q = q_ref[...]
    cat = jnp.concatenate([mo_ref[...], ma_ref[...]], axis=1)

    dot = lax.dot_general(q, cat, _DN,
                          preferred_element_type=jnp.float32)
    catT = jnp.transpose(cat)
    m2 = jnp.sum(catT * catT, axis=0, keepdims=True)
    qT = jnp.transpose(q)
    q2 = jnp.transpose(jnp.sum(qT * qT, axis=0, keepdims=True))
    s = (q2 - 2.0 * dot) + m2

    iota1 = lax.broadcasted_iota(jnp.int32, (1, W), 1)
    s = jnp.where(t * W + iota1 < M, s, jnp.inf)
    s_ref[...] = s

    lanei = lax.broadcasted_iota(jnp.int32, (B, 128), 1)

    f = s[:, 0:128]
    fg = jnp.zeros((B, 128), jnp.int32)
    for g in range(1, W // 128):
        sl = s[:, g * 128:(g + 1) * 128]
        cond = sl < f
        f = jnp.where(cond, sl, f)
        fg = jnp.where(cond, g, fg)
    f_ref[...] = f
    fg_ref[...] = fg

    ia = lax.broadcasted_iota(jnp.int32, (B, W), 1)

    def _round(_):
        fv = f_ref[...]
        mn = jnp.min(fv, axis=1, keepdims=True)
        bd = bd_ref[...]
        imp = mn < bd[:, K - 1:K]
        go = jnp.any(imp)

        @pl.when(go)
        def _insert():
            fcol = fg_ref[...] * 128 + lanei
            c = jnp.min(jnp.where(fv == mn, fcol, 2 ** 30), axis=1,
                        keepdims=True)
            sv = s_ref[...]
            masked = jnp.where(ia == c, jnp.inf, sv)
            s_ref[...] = masked
            nf = masked[:, 0:128]
            nfg = jnp.zeros((B, 128), jnp.int32)
            for g in range(1, W // 128):
                sl = masked[:, g * 128:(g + 1) * 128]
                cond = sl < nf
                nf = jnp.where(cond, sl, nf)
                nfg = jnp.where(cond, g, nfg)
            f_ref[...] = nf
            fg_ref[...] = nfg
            gi = c + t * W
            bi = bi_ref[...]
            bd_sh = jnp.concatenate(
                [jnp.full((B, 1), -jnp.inf, jnp.float32), bd[:, :AUGPAD - 1]],
                axis=1)
            bi_sh = jnp.concatenate(
                [jnp.zeros((B, 1), jnp.int32), bi[:, :AUGPAD - 1]], axis=1)
            geq = bd > mn
            geq_s = bd_sh > mn
            bd_new = jnp.where(geq, jnp.where(geq_s, bd_sh, mn), bd)
            bi_new = jnp.where(geq, jnp.where(geq_s, bi_sh, gi), bi)
            bd_ref[...] = jnp.where(imp, bd_new, bd)
            bi_ref[...] = jnp.where(imp, bi_new, bi)

        return jnp.where(go, 1, 0)

    lax.while_loop(lambda go: go != 0, _round, 1)

    @pl.when(t == T - 1)
    def _fin():
        bdo_ref[...] = jnp.transpose(bd_ref[...])
        bio_ref[...] = jnp.transpose(bi_ref[...])


def _tc_topk(q, mem_obs, mem_action):
    return pl.pallas_call(
        _tc_body,
        grid=(T,),
        in_specs=[
            pl.BlockSpec((B, D), lambda t: (0, 0)),
            pl.BlockSpec((W, OD), lambda t: (t, 0)),
            pl.BlockSpec((W, AD), lambda t: (t, 0)),
        ],
        out_specs=[
            pl.BlockSpec((AUGPAD, B), lambda t: (0, 0)),
            pl.BlockSpec((AUGPAD, B), lambda t: (0, 0)),
        ],
        out_shape=[
            jax.ShapeDtypeStruct((AUGPAD, B), jnp.float32),
            jax.ShapeDtypeStruct((AUGPAD, B), jnp.int32),
        ],
        scratch_shapes=[
            pltpu.VMEM((B, AUGPAD), jnp.float32),
            pltpu.VMEM((B, AUGPAD), jnp.int32),
            pltpu.VMEM((B, W), jnp.float32),
            pltpu.VMEM((B, 128), jnp.float32),
            pltpu.VMEM((B, 128), jnp.int32),
        ],
        compiler_params=pltpu.CompilerParams(
            dimension_semantics=("arbitrary",)),
    )(q, mem_obs, mem_action)


def _sc_combine(bd_flat, bi_flat, mq_flat):
    fn = functools.partial(
        pl.kernel,
        mesh=plsc.VectorSubcoreMesh(core_axis_name="c", subcore_axis_name="s"),
        out_type=jax.ShapeDtypeStruct((B,), jnp.float32),
        scratch_types=[
            pltpu.VMEM((16, 16), jnp.float32),
            pltpu.VMEM((16, 16), jnp.int32),
            pltpu.VMEM((16, 16), jnp.float32),
            pltpu.VMEM((16,), jnp.float32),
            pltpu.SemaphoreType.DMA,
        ],
    )(_sc_body)
    return fn(bd_flat, bi_flat, mq_flat)


def _sc_body(bd_hbm, bi_hbm, mq_hbm, out_hbm, bd_v, bi_v, qs_v, res_v,
             sem):
    nc = 2
    wid = lax.axis_index("s") * nc + lax.axis_index("c")

    @pl.when(wid < 16)
    def _():
        base = wid * 16
        loads = []
        for k in range(K):
            loads.append(pltpu.async_copy(
                bd_hbm.at[pl.ds(k * B + base, 16)], bd_v.at[k, :], sem))
            loads.append(pltpu.async_copy(
                bi_hbm.at[pl.ds(k * B + base, 16)], bi_v.at[k, :], sem))
        for cp in loads:
            cp.wait()
        copies = [
            pltpu.async_copy(mq_hbm.at[bi_v[k, :]], qs_v.at[k, :], sem)
            for k in range(K)
        ]
        for cp in copies:
            cp.wait()
        dvs = [bd_v[k, :] for k in range(K)]
        mx = dvs[0]
        for k in range(1, K):
            mx = jnp.maximum(mx, dvs[k])
        num = jnp.zeros((16,), jnp.float32)
        den = jnp.zeros((16,), jnp.float32)
        for k in range(K):
            e = jnp.exp(dvs[k] - mx)
            num = num + e * qs_v[k, :]
            den = den + e
        res_v[...] = num / den
        pltpu.sync_copy(res_v, out_hbm.at[pl.ds(base, 16)])


def kernel(obs, action, mem_obs, mem_action, mem_Q):
    q = jnp.concatenate([obs, action], axis=1)
    bd, bi = _tc_topk(q, mem_obs, mem_action)
    return _sc_combine(bd.reshape(AUGPAD * B), bi.reshape(AUGPAD * B),
                       mem_Q.reshape(M))

# --- scband reference (transcript-rebuilt; emitter-appended) ---
"""Pipeline reference for scband-memory-critic-33517924778507 (READ-ONLY COPY).

The authoritative reference and input builder live on the scoring server;
editing this copy changes nothing except your own understanding.
"""

import jax, jax.numpy as jnp
import numpy as np

B, M, OD, AD = 256, 250000, 48, 16
K = 10

def setup_inputs(seed: int = 0) -> dict:
    key = jax.random.key(seed)
    ks = jax.random.split(key, 5)
    obs = jax.random.normal(ks[0], (B, OD), dtype=jnp.float32)
    action = jax.random.normal(ks[1], (B, AD), dtype=jnp.float32)
    mem_obs = jax.random.normal(ks[2], (M, OD), dtype=jnp.float32)
    mem_action = jax.random.normal(ks[3], (M, AD), dtype=jnp.float32)
    mem_Q = jax.random.normal(ks[4], (M, 1), dtype=jnp.float32)
    return {"obs": obs, "action": action, "mem_obs": mem_obs, "mem_action": mem_action, "mem_Q": mem_Q}

def reference(obs, action, mem_obs, mem_action, mem_Q):
    # query = cat([obs, action]); memory keys = cat([mem_obs, mem_action])
    q = jnp.concatenate([obs, action], axis=1)            # [B, D]
    mem = jnp.concatenate([mem_obs, mem_action], axis=1)  # [M, D]
    # FLANN nn_index: exact kNN by squared Euclidean distance
    q2 = jnp.sum(q * q, axis=1, keepdims=True)            # [B, 1]
    m2 = jnp.sum(mem * mem, axis=1)[None, :]              # [1, M]
    d2 = q2 - 2.0 * (q @ mem.T) + m2                      # [B, M]
    neg_d, idx = jax.lax.top_k(-d2, K)                    # nearest K
    dists = -neg_d                                        # [B, K] squared dists
    # Qs = memory['Q'][neighbors].squeeze(-1)
    Qs = jnp.take(mem_Q[:, 0], idx, axis=0)               # [B, K]
    # weights = softmax(dists)  (note: softmax of raw distances, as in original)
    weights = jax.nn.softmax(dists, axis=1)
    return jnp.sum(weights * Qs, axis=1)                  # [B]

if __name__ == "__main__":
    import jax
    _d = setup_inputs()
    print(jax.jit(kernel)(*tuple(_d.values())))

</pallas_src>

<mosaic_0001>
#map = affine_map<(d0, d1) -> (0)>
module attributes {stable_mosaic.version = 14 : i64} {
  func.func @_sc_body(%arg0: i32, %arg1: i32, %arg2: memref<32768xf32, #tpu.memory_space<hbm>>, %arg3: memref<32768xi32, #tpu.memory_space<hbm>>, %arg4: memref<250000xf32, #tpu.memory_space<hbm>>, %arg5: memref<256xf32, #tpu.memory_space<hbm>>, %arg6: memref<16x16xf32, #tpu.memory_space<vmem>>, %arg7: memref<16x16xi32, #tpu.memory_space<vmem>>, %arg8: memref<16x16xf32, #tpu.memory_space<vmem>>, %arg9: memref<16xf32, #tpu.memory_space<vmem>>, %arg10: memref<!tpu.dma_semaphore, #tpu.memory_space<semaphore_mem>>) attributes {dimension_semantics = [#tpu.dimension_semantics<core_parallel>, #tpu.dimension_semantics<subcore_parallel>], iteration_bounds = array<i64: 2, 16>, scalar_prefetch = 0 : i64, scratch_operands = 5 : i64, tpu.core_type = #tpu.core_type<sc_vector_subcore>, window_params = [{transform_indices = #map}, {transform_indices = #map}, {transform_indices = #map}, {transform_indices = #map}]} {
    %mul3A = arith.constant 2 : i32
    %mul3A_0 = arith.muli %arg1, %mul3A : i32
    %add3A = arith.addi %mul3A_0, %arg0 : i32
    %lt3A = arith.constant 16 : i32
    %lt3A_1 = arith.cmpi slt, %add3A, %lt3A : i32
    %convert_element_type3A = arith.extui %lt3A_1 : i1 to i32
    %cond3A = arith.constant 0 : i32
    %cond3A_2 = arith.cmpi ne, %convert_element_type3A, %cond3A : i32
    scf.if %cond3A_2 {
      %mul3A_3 = arith.constant 16 : i32
      %mul3A_4 = arith.muli %add3A, %mul3A_3 : i32
      %add3A_5 = arith.constant 0 : i32
      %add3A_6 = arith.addi %add3A_5, %mul3A_4 : i32
      %dma_start3A = arith.constant 0 : i32
      %dma_start3A_7 = arith.constant 0 : i32
      %dma_start3A_8 = tpu.memref_slice %arg6[%dma_start3A, %dma_start3A_7] : memref<16x16xf32, #tpu.memory_space<vmem>> -> memref<1x16xf32, #tpu.memory_space<vmem>>
      %dma_start3A_9 = tpu.memref_squeeze %dma_start3A_8 : memref<1x16xf32, #tpu.memory_space<vmem>> -> memref<16xf32, #tpu.memory_space<vmem>>
      %dma_start3A_10 = tpu.memref_slice %arg2[%add3A_6] : memref<32768xf32, #tpu.memory_space<hbm>> -> memref<16xf32, #tpu.memory_space<hbm>>
      %dma_start3A_11 = arith.constant 0 : i32
      %dma_start3A_12 = tpu.memref_slice %arg6[%dma_start3A, %dma_start3A_11] : memref<16x16xf32, #tpu.memory_space<vmem>> -> memref<1x16xf32, #tpu.memory_space<vmem>>
      %dma_start3A_13 = tpu.memref_squeeze %dma_start3A_12 : memref<1x16xf32, #tpu.memory_space<vmem>> -> memref<16xf32, #tpu.memory_space<vmem>>
      %dma_start3A_14 = tpu.memref_slice %arg2[%add3A_6] : memref<32768xf32, #tpu.memory_space<hbm>> -> memref<16xf32, #tpu.memory_space<hbm>>
      tpu.enqueue_dma source(%dma_start3A_14 : memref<16xf32, #tpu.memory_space<hbm>>) target(%dma_start3A_13 : memref<16xf32, #tpu.memory_space<vmem>>) target_semaphore(%arg10 : memref<!tpu.dma_semaphore, #tpu.memory_space<semaphore_mem>>)
      %add3A_15 = arith.constant 0 : i32
      %add3A_16 = arith.addi %add3A_15, %mul3A_4 : i32
      %dma_start3A_17 = arith.constant 0 : i32
      %dma_start3A_18 = arith.constant 0 : i32
      %dma_start3A_19 = tpu.memref_slice %arg7[%dma_start3A_17, %dma_start3A_18] : memref<16x16xi32, #tpu.memory_space<vmem>> -> memref<1x16xi32, #tpu.memory_space<vmem>>
      %dma_start3A_20 = tpu.memref_squeeze %dma_start3A_19 : memref<1x16xi32, #tpu.memory_space<vmem>> -> memref<16xi32, #tpu.memory_space<vmem>>
      %dma_start3A_21 = tpu.memref_slice %arg3[%add3A_16] : memref<32768xi32, #tpu.memory_space<hbm>> -> memref<16xi32, #tpu.memory_space<hbm>>
      %dma_start3A_22 = arith.constant 0 : i32
      %dma_start3A_23 = tpu.memref_slice %arg7[%dma_start3A_17, %dma_start3A_22] : memref<16x16xi32, #tpu.memory_space<vmem>> -> memref<1x16xi32, #tpu.memory_space<vmem>>
      %dma_start3A_24 = tpu.memref_squeeze %dma_start3A_23 : memref<1x16xi32, #tpu.memory_space<vmem>> -> memref<16xi32, #tpu.memory_space<vmem>>
      %dma_start3A_25 = tpu.memref_slice %arg3[%add3A_16] : memref<32768xi32, #tpu.memory_space<hbm>> -> memref<16xi32, #tpu.memory_space<hbm>>
      tpu.enqueue_dma source(%dma_start3A_25 : memref<16xi32, #tpu.memory_space<hbm>>) target(%dma_start3A_24 : memref<16xi32, #tpu.memory_space<vmem>>) target_semaphore(%arg10 : memref<!tpu.dma_semaphore, #tpu.memory_space<semaphore_mem>>)
      %add3A_26 = arith.constant 256 : i32
      %add3A_27 = arith.addi %add3A_26, %mul3A_4 : i32
      %dma_start3A_28 = arith.constant 1 : i32
      %dma_start3A_29 = arith.constant 0 : i32
      %dma_start3A_30 = tpu.memref_slice %arg6[%dma_start3A_28, %dma_start3A_29] : memref<16x16xf32, #tpu.memory_space<vmem>> -> memref<1x16xf32, #tpu.memory_space<vmem>>
      %dma_start3A_31 = tpu.memref_squeeze %dma_start3A_30 : memref<1x16xf32, #tpu.memory_space<vmem>> -> memref<16xf32, #tpu.memory_space<vmem>>
      %dma_start3A_32 = tpu.memref_slice %arg2[%add3A_27] : memref<32768xf32, #tpu.memory_space<hbm>> -> memref<16xf32, #tpu.memory_space<hbm>>
      %dma_start3A_33 = arith.constant 0 : i32
      %dma_start3A_34 = tpu.memref_slice %arg6[%dma_start3A_28, %dma_start3A_33] : memref<16x16xf32, #tpu.memory_space<vmem>> -> memref<1x16xf32, #tpu.memory_space<vmem>>
      %dma_start3A_35 = tpu.memref_squeeze %dma_start3A_34 : memref<1x16xf32, #tpu.memory_space<vmem>> -> memref<16xf32, #tpu.memory_space<vmem>>
      %dma_start3A_36 = tpu.memref_slice %arg2[%add3A_27] : memref<32768xf32, #tpu.memory_space<hbm>> -> memref<16xf32, #tpu.memory_space<hbm>>
      tpu.enqueue_dma source(%dma_start3A_36 : memref<16xf32, #tpu.memory_space<hbm>>) target(%dma_start3A_35 : memref<16xf32, #tpu.memory_space<vmem>>) target_semaphore(%arg10 : memref<!tpu.dma_semaphore, #tpu.memory_space<semaphore_mem>>)
      %add3A_37 = arith.constant 256 : i32
      %add3A_38 = arith.addi %add3A_37, %mul3A_4 : i32
      %dma_start3A_39 = arith.constant 1 : i32
      %dma_start3A_40 = arith.constant 0 : i32
      %dma_start3A_41 = tpu.memref_slice %arg7[%dma_start3A_39, %dma_start3A_40] : memref<16x16xi32, #tpu.memory_space<vmem>> -> memref<1x16xi32, #tpu.memory_space<vmem>>
      %dma_start3A_42 = tpu.memref_squeeze %dma_start3A_41 : memref<1x16xi32, #tpu.memory_space<vmem>> -> memref<16xi32, #tpu.memory_space<vmem>>
      %dma_start3A_43 = tpu.memref_slice %arg3[%add3A_38] : memref<32768xi32, #tpu.memory_space<hbm>> -> memref<16xi32, #tpu.memory_space<hbm>>
      %dma_start3A_44 = arith.constant 0 : i32
      %dma_start3A_45 = tpu.memref_slice %arg7[%dma_start3A_39, %dma_start3A_44] : memref<16x16xi32, #tpu.memory_space<vmem>> -> memref<1x16xi32, #tpu.memory_space<vmem>>
      %dma_start3A_46 = tpu.memref_squeeze %dma_start3A_45 : memref<1x16xi32, #tpu.memory_space<vmem>> -> memref<16xi32, #tpu.memory_space<vmem>>
      %dma_start3A_47 = tpu.memref_slice %arg3[%add3A_38] : memref<32768xi32, #tpu.memory_space<hbm>> -> memref<16xi32, #tpu.memory_space<hbm>>
      tpu.enqueue_dma source(%dma_start3A_47 : memref<16xi32, #tpu.memory_space<hbm>>) target(%dma_start3A_46 : memref<16xi32, #tpu.memory_space<vmem>>) target_semaphore(%arg10 : memref<!tpu.dma_semaphore, #tpu.memory_space<semaphore_mem>>)
      %add3A_48 = arith.constant 512 : i32
      %add3A_49 = arith.addi %add3A_48, %mul3A_4 : i32
      %dma_start3A_50 = arith.constant 2 : i32
      %dma_start3A_51 = arith.constant 0 : i32
      %dma_start3A_52 = tpu.memref_slice %arg6[%dma_start3A_50, %dma_start3A_51] : memref<16x16xf32, #tpu.memory_space<vmem>> -> memref<1x16xf32, #tpu.memory_space<vmem>>
      %dma_start3A_53 = tpu.memref_squeeze %dma_start3A_52 : memref<1x16xf32, #tpu.memory_space<vmem>> -> memref<16xf32, #tpu.memory_space<vmem>>
      %dma_start3A_54 = tpu.memref_slice %arg2[%add3A_49] : memref<32768xf32, #tpu.memory_space<hbm>> -> memref<16xf32, #tpu.memory_space<hbm>>
      %dma_start3A_55 = arith.constant 0 : i32
      %dma_start3A_56 = tpu.memref_slice %arg6[%dma_start3A_50, %dma_start3A_55] : memref<16x16xf32, #tpu.memory_space<vmem>> -> memref<1x16xf32, #tpu.memory_space<vmem>>
      %dma_start3A_57 = tpu.memref_squeeze %dma_start3A_56 : memref<1x16xf32, #tpu.memory_space<vmem>> -> memref<16xf32, #tpu.memory_space<vmem>>
      %dma_start3A_58 = tpu.memref_slice %arg2[%add3A_49] : memref<32768xf32, #tpu.memory_space<hbm>> -> memref<16xf32, #tpu.memory_space<hbm>>
      tpu.enqueue_dma source(%dma_start3A_58 : memref<16xf32, #tpu.memory_space<hbm>>) target(%dma_start3A_57 : memref<16xf32, #tpu.memory_space<vmem>>) target_semaphore(%arg10 : memref<!tpu.dma_semaphore, #tpu.memory_space<semaphore_mem>>)
      %add3A_59 = arith.constant 512 : i32
      %add3A_60 = arith.addi %add3A_59, %mul3A_4 : i32
      %dma_start3A_61 = arith.constant 2 : i32
      %dma_start3A_62 = arith.constant 0 : i32
      %dma_start3A_63 = tpu.memref_slice %arg7[%dma_start3A_61, %dma_start3A_62] : memref<16x16xi32, #tpu.memory_space<vmem>> -> memref<1x16xi32, #tpu.memory_space<vmem>>
      %dma_start3A_64 = tpu.memref_squeeze %dma_start3A_63 : memref<1x16xi32, #tpu.memory_space<vmem>> -> memref<16xi32, #tpu.memory_space<vmem>>
      %dma_start3A_65 = tpu.memref_slice %arg3[%add3A_60] : memref<32768xi32, #tpu.memory_space<hbm>> -> memref<16xi32, #tpu.memory_space<hbm>>
      %dma_start3A_66 = arith.constant 0 : i32
      %dma_start3A_67 = tpu.memref_slice %arg7[%dma_start3A_61, %dma_start3A_66] : memref<16x16xi32, #tpu.memory_space<vmem>> -> memref<1x16xi32, #tpu.memory_space<vmem>>
      %dma_start3A_68 = tpu.memref_squeeze %dma_start3A_67 : memref<1x16xi32, #tpu.memory_space<vmem>> -> memref<16xi32, #tpu.memory_space<vmem>>
      %dma_start3A_69 = tpu.memref_slice %arg3[%add3A_60] : memref<32768xi32, #tpu.memory_space<hbm>> -> memref<16xi32, #tpu.memory_space<hbm>>
      tpu.enqueue_dma source(%dma_start3A_69 : memref<16xi32, #tpu.memory_space<hbm>>) target(%dma_start3A_68 : memref<16xi32, #tpu.memory_space<vmem>>) target_semaphore(%arg10 : memref<!tpu.dma_semaphore, #tpu.memory_space<semaphore_mem>>)
      %add3A_70 = arith.constant 768 : i32
      %add3A_71 = arith.addi %add3A_70, %mul3A_4 : i32
      %dma_start3A_72 = arith.constant 3 : i32
      %dma_start3A_73 = arith.constant 0 : i32
      %dma_start3A_74 = tpu.memref_slice %arg6[%dma_start3A_72, %dma_start3A_73] : memref<16x16xf32, #tpu.memory_space<vmem>> -> memref<1x16xf32, #tpu.memory_space<vmem>>
      %dma_start3A_75 = tpu.memref_squeeze %dma_start3A_74 : memref<1x16xf32, #tpu.memory_space<vmem>> -> memref<16xf32, #tpu.memory_space<vmem>>
      %dma_start3A_76 = tpu.memref_slice %arg2[%add3A_71] : memref<32768xf32, #tpu.memory_space<hbm>> -> memref<16xf32, #tpu.memory_space<hbm>>
      %dma_start3A_77 = arith.constant 0 : i32
      %dma_start3A_78 = tpu.memref_slice %arg6[%dma_start3A_72, %dma_start3A_77] : memref<16x16xf32, #tpu.memory_space<vmem>> -> memref<1x16xf32, #tpu.memory_space<vmem>>
      %dma_start3A_79 = tpu.memref_squeeze %dma_start3A_78 : memref<1x16xf32, #tpu.memory_space<vmem>> -> memref<16xf32, #tpu.memory_space<vmem>>
      %dma_start3A_80 = tpu.memref_slice %arg2[%add3A_71] : memref<32768xf32, #tpu.memory_space<hbm>> -> memref<16xf32, #tpu.memory_space<hbm>>
      tpu.enqueue_dma source(%dma_start3A_80 : memref<16xf32, #tpu.memory_space<hbm>>) target(%dma_start3A_79 : memref<16xf32, #tpu.memory_space<vmem>>) target_semaphore(%arg10 : memref<!tpu.dma_semaphore, #tpu.memory_space<semaphore_mem>>)
      %add3A_81 = arith.constant 768 : i32
      %add3A_82 = arith.addi %add3A_81, %mul3A_4 : i32
      %dma_start3A_83 = arith.constant 3 : i32
      %dma_start3A_84 = arith.constant 0 : i32
      %dma_start3A_85 = tpu.memref_slice %arg7[%dma_start3A_83, %dma_start3A_84] : memref<16x16xi32, #tpu.memory_space<vmem>> -> memref<1x16xi32, #tpu.memory_space<vmem>>
      %dma_start3A_86 = tpu.memref_squeeze %dma_start3A_85 : memref<1x16xi32, #tpu.memory_space<vmem>> -> memref<16xi32, #tpu.memory_space<vmem>>
      %dma_start3A_87 = tpu.memref_slice %arg3[%add3A_82] : memref<32768xi32, #tpu.memory_space<hbm>> -> memref<16xi32, #tpu.memory_space<hbm>>
      %dma_start3A_88 = arith.constant 0 : i32
      %dma_start3A_89 = tpu.memref_slice %arg7[%dma_start3A_83, %dma_start3A_88] : memref<16x16xi32, #tpu.memory_space<vmem>> -> memref<1x16xi32, #tpu.memory_space<vmem>>
      %dma_start3A_90 = tpu.memref_squeeze %dma_start3A_89 : memref<1x16xi32, #tpu.memory_space<vmem>> -> memref<16xi32, #tpu.memory_space<vmem>>
      %dma_start3A_91 = tpu.memref_slice %arg3[%add3A_82] : memref<32768xi32, #tpu.memory_space<hbm>> -> memref<16xi32, #tpu.memory_space<hbm>>
      tpu.enqueue_dma source(%dma_start3A_91 : memref<16xi32, #tpu.memory_space<hbm>>) target(%dma_start3A_90 : memref<16xi32, #tpu.memory_space<vmem>>) target_semaphore(%arg10 : memref<!tpu.dma_semaphore, #tpu.memory_space<semaphore_mem>>)
      %add3A_92 = arith.constant 1024 : i32
      %add3A_93 = arith.addi %add3A_92, %mul3A_4 : i32
      %dma_start3A_94 = arith.constant 4 : i32
      %dma_start3A_95 = arith.constant 0 : i32
      %dma_start3A_96 = tpu.memref_slice %arg6[%dma_start3A_94, %dma_start3A_95] : memref<16x16xf32, #tpu.memory_space<vmem>> -> memref<1x16xf32, #tpu.memory_space<vmem>>
      %dma_start3A_97 = tpu.memref_squeeze %dma_start3A_96 : memref<1x16xf32, #tpu.memory_space<vmem>> -> memref<16xf32, #tpu.memory_space<vmem>>
      %dma_start3A_98 = tpu.memref_slice %arg2[%add3A_93] : memref<32768xf32, #tpu.memory_space<hbm>> -> memref<16xf32, #tpu.memory_space<hbm>>
      %dma_start3A_99 = arith.constant 0 : i32
      %dma_start3A_100 = tpu.memref_slice %arg6[%dma_start3A_94, %dma_start3A_99] : memref<16x16xf32, #tpu.memory_space<vmem>> -> memref<1x16xf32, #tpu.memory_space<vmem>>
      %dma_start3A_101 = tpu.memref_squeeze %dma_start3A_100 : memref<1x16xf32, #tpu.memory_space<vmem>> -> memref<16xf32, #tpu.memory_space<vmem>>
      %dma_start3A_102 = tpu.memref_slice %arg2[%add3A_93] : memref<32768xf32, #tpu.memory_space<hbm>> -> memref<16xf32, #tpu.memory_space<hbm>>
      tpu.enqueue_dma source(%dma_start3A_102 : memref<16xf32, #tpu.memory_space<hbm>>) target(%dma_start3A_101 : memref<16xf32, #tpu.memory_space<vmem>>) target_semaphore(%arg10 : memref<!tpu.dma_semaphore, #tpu.memory_space<semaphore_mem>>)
      %add3A_103 = arith.constant 1024 : i32
      %add3A_104 = arith.addi %add3A_103, %mul3A_4 : i32
      %dma_start3A_105 = arith.constant 4 : i32
      %dma_start3A_106 = arith.constant 0 : i32
      %dma_start3A_107 = tpu.memref_slice %arg7[%dma_start3A_105, %dma_start3A_106] : memref<16x16xi32, #tpu.memory_space<vmem>> -> memref<1x16xi32, #tpu.memory_space<vmem>>
      %dma_start3A_108 = tpu.memref_squeeze %dma_start3A_107 : memref<1x16xi32, #tpu.memory_space<vmem>> -> memref<16xi32, #tpu.memory_space<vmem>>
      %dma_start3A_109 = tpu.memref_slice %arg3[%add3A_104] : memref<32768xi32, #tpu.memory_space<hbm>> -> memref<16xi32, #tpu.memory_space<hbm>>
      %dma_start3A_110 = arith.constant 0 : i32
      %dma_start3A_111 = tpu.memref_slice %arg7[%dma_start3A_105, %dma_start3A_110] : memref<16x16xi32, #tpu.memory_space<vmem>> -> memref<1x16xi32, #tpu.memory_space<vmem>>
      %dma_start3A_112 = tpu.memref_squeeze %dma_start3A_111 : memref<1x16xi32, #tpu.memory_space<vmem>> -> memref<16xi32, #tpu.memory_space<vmem>>
      %dma_start3A_113 = tpu.memref_slice %arg3[%add3A_104] : memref<32768xi32, #tpu.memory_space<hbm>> -> memref<16xi32, #tpu.memory_space<hbm>>
      tpu.enqueue_dma source(%dma_start3A_113 : memref<16xi32, #tpu.memory_space<hbm>>) target(%dma_start3A_112 : memref<16xi32, #tpu.memory_space<vmem>>) target_semaphore(%arg10 : memref<!tpu.dma_semaphore, #tpu.memory_space<semaphore_mem>>)
      %add3A_114 = arith.constant 1280 : i32
      %add3A_115 = arith.addi %add3A_114, %mul3A_4 : i32
      %dma_start3A_116 = arith.constant 5 : i32
      %dma_start3A_117 = arith.constant 0 : i32
      %dma_start3A_118 = tpu.memref_slice %arg6[%dma_start3A_116, %dma_start3A_117] : memref<16x16xf32, #tpu.memory_space<vmem>> -> memref<1x16xf32, #tpu.memory_space<vmem>>
      %dma_start3A_119 = tpu.memref_squeeze %dma_start3A_118 : memref<1x16xf32, #tpu.memory_space<vmem>> -> memref<16xf32, #tpu.memory_space<vmem>>
      %dma_start3A_120 = tpu.memref_slice %arg2[%add3A_115] : memref<32768xf32, #tpu.memory_space<hbm>> -> memref<16xf32, #tpu.memory_space<hbm>>
      %dma_start3A_121 = arith.constant 0 : i32
      %dma_start3A_122 = tpu.memref_slice %arg6[%dma_start3A_116, %dma_start3A_121] : memref<16x16xf32, #tpu.memory_space<vmem>> -> memref<1x16xf32, #tpu.memory_space<vmem>>
      %dma_start3A_123 = tpu.memref_squeeze %dma_start3A_122 : memref<1x16xf32, #tpu.memory_space<vmem>> -> memref<16xf32, #tpu.memory_space<vmem>>
      %dma_start3A_124 = tpu.memref_slice %arg2[%add3A_115] : memref<32768xf32, #tpu.memory_space<hbm>> -> memref<16xf32, #tpu.memory_space<hbm>>
      tpu.enqueue_dma source(%dma_start3A_124 : memref<16xf32, #tpu.memory_space<hbm>>) target(%dma_start3A_123 : memref<16xf32, #tpu.memory_space<vmem>>) target_semaphore(%arg10 : memref<!tpu.dma_semaphore, #tpu.memory_space<semaphore_mem>>)
      %add3A_125 = arith.constant 1280 : i32
      %add3A_126 = arith.addi %add3A_125, %mul3A_4 : i32
      %dma_start3A_127 = arith.constant 5 : i32
      %dma_start3A_128 = arith.constant 0 : i32
      %dma_start3A_129 = tpu.memref_slice %arg7[%dma_start3A_127, %dma_start3A_128] : memref<16x16xi32, #tpu.memory_space<vmem>> -> memref<1x16xi32, #tpu.memory_space<vmem>>
      %dma_start3A_130 = tpu.memref_squeeze %dma_start3A_129 : memref<1x16xi32, #tpu.memory_space<vmem>> -> memref<16xi32, #tpu.memory_space<vmem>>
      %dma_start3A_131 = tpu.memref_slice %arg3[%add3A_126] : memref<32768xi32, #tpu.memory_space<hbm>> -> memref<16xi32, #tpu.memory_space<hbm>>
      %dma_start3A_132 = arith.constant 0 : i32
      %dma_start3A_133 = tpu.memref_slice %arg7[%dma_start3A_127, %dma_start3A_132] : memref<16x16xi32, #tpu.memory_space<vmem>> -> memref<1x16xi32, #tpu.memory_space<vmem>>
      %dma_start3A_134 = tpu.memref_squeeze %dma_start3A_133 : memref<1x16xi32, #tpu.memory_space<vmem>> -> memref<16xi32, #tpu.memory_space<vmem>>
      %dma_start3A_135 = tpu.memref_slice %arg3[%add3A_126] : memref<32768xi32, #tpu.memory_space<hbm>> -> memref<16xi32, #tpu.memory_space<hbm>>
      tpu.enqueue_dma source(%dma_start3A_135 : memref<16xi32, #tpu.memory_space<hbm>>) target(%dma_start3A_134 : memref<16xi32, #tpu.memory_space<vmem>>) target_semaphore(%arg10 : memref<!tpu.dma_semaphore, #tpu.memory_space<semaphore_mem>>)
      %add3A_136 = arith.constant 1536 : i32
      %add3A_137 = arith.addi %add3A_136, %mul3A_4 : i32
      %dma_start3A_138 = arith.constant 6 : i32
      %dma_start3A_139 = arith.constant 0 : i32
      %dma_start3A_140 = tpu.memref_slice %arg6[%dma_start3A_138, %dma_start3A_139] : memref<16x16xf32, #tpu.memory_space<vmem>> -> memref<1x16xf32, #tpu.memory_space<vmem>>
      %dma_start3A_141 = tpu.memref_squeeze %dma_start3A_140 : memref<1x16xf32, #tpu.memory_space<vmem>> -> memref<16xf32, #tpu.memory_space<vmem>>
      %dma_start3A_142 = tpu.memref_slice %arg2[%add3A_137] : memref<32768xf32, #tpu.memory_space<hbm>> -> memref<16xf32, #tpu.memory_space<hbm>>
      %dma_start3A_143 = arith.constant 0 : i32
      %dma_start3A_144 = tpu.memref_slice %arg6[%dma_start3A_138, %dma_start3A_143] : memref<16x16xf32, #tpu.memory_space<vmem>> -> memref<1x16xf32, #tpu.memory_space<vmem>>
      %dma_start3A_145 = tpu.memref_squeeze %dma_start3A_144 : memref<1x16xf32, #tpu.memory_space<vmem>> -> memref<16xf32, #tpu.memory_space<vmem>>
      %dma_start3A_146 = tpu.memref_slice %arg2[%add3A_137] : memref<32768xf32, #tpu.memory_space<hbm>> -> memref<16xf32, #tpu.memory_space<hbm>>
      tpu.enqueue_dma source(%dma_start3A_146 : memref<16xf32, #tpu.memory_space<hbm>>) target(%dma_start3A_145 : memref<16xf32, #tpu.memory_space<vmem>>) target_semaphore(%arg10 : memref<!tpu.dma_semaphore, #tpu.memory_space<semaphore_mem>>)
      %add3A_147 = arith.constant 1536 : i32
      %add3A_148 = arith.addi %add3A_147, %mul3A_4 : i32
      %dma_start3A_149 = arith.constant 6 : i32
      %dma_start3A_150 = arith.constant 0 : i32
      %dma_start3A_151 = tpu.memref_slice %arg7[%dma_start3A_149, %dma_start3A_150] : memref<16x16xi32, #tpu.memory_space<vmem>> -> memref<1x16xi32, #tpu.memory_space<vmem>>
      %dma_start3A_152 = tpu.memref_squeeze %dma_start3A_151 : memref<1x16xi32, #tpu.memory_space<vmem>> -> memref<16xi32, #tpu.memory_space<vmem>>
      %dma_start3A_153 = tpu.memref_slice %arg3[%add3A_148] : memref<32768xi32, #tpu.memory_space<hbm>> -> memref<16xi32, #tpu.memory_space<hbm>>
      %dma_start3A_154 = arith.constant 0 : i32
      %dma_start3A_155 = tpu.memref_slice %arg7[%dma_start3A_149, %dma_start3A_154] : memref<16x16xi32, #tpu.memory_space<vmem>> -> memref<1x16xi32, #tpu.memory_space<vmem>>
      %dma_start3A_156 = tpu.memref_squeeze %dma_start3A_155 : memref<1x16xi32, #tpu.memory_space<vmem>> -> memref<16xi32, #tpu.memory_space<vmem>>
      %dma_start3A_157 = tpu.memref_slice %arg3[%add3A_148] : memref<32768xi32, #tpu.memory_space<hbm>> -> memref<16xi32, #tpu.memory_space<hbm>>
      tpu.enqueue_dma source(%dma_start3A_157 : memref<16xi32, #tpu.memory_space<hbm>>) target(%dma_start3A_156 : memref<16xi32, #tpu.memory_space<vmem>>) target_semaphore(%arg10 : memref<!tpu.dma_semaphore, #tpu.memory_space<semaphore_mem>>)
      %add3A_158 = arith.constant 1792 : i32
      %add3A_159 = arith.addi %add3A_158, %mul3A_4 : i32
      %dma_start3A_160 = arith.constant 7 : i32
      %dma_start3A_161 = arith.constant 0 : i32
      %dma_start3A_162 = tpu.memref_slice %arg6[%dma_start3A_160, %dma_start3A_161] : memref<16x16xf32, #tpu.memory_space<vmem>> -> memref<1x16xf32, #tpu.memory_space<vmem>>
      %dma_start3A_163 = tpu.memref_squeeze %dma_start3A_162 : memref<1x16xf32, #tpu.memory_space<vmem>> -> memref<16xf32, #tpu.memory_space<vmem>>
      %dma_start3A_164 = tpu.memref_slice %arg2[%add3A_159] : memref<32768xf32, #tpu.memory_space<hbm>> -> memref<16xf32, #tpu.memory_space<hbm>>
      %dma_start3A_165 = arith.constant 0 : i32
      %dma_start3A_166 = tpu.memref_slice %arg6[%dma_start3A_160, %dma_start3A_165] : memref<16x16xf32, #tpu.memory_space<vmem>> -> memref<1x16xf32, #tpu.memory_space<vmem>>
      %dma_start3A_167 = tpu.memref_squeeze %dma_start3A_166 : memref<1x16xf32, #tpu.memory_space<vmem>> -> memref<16xf32, #tpu.memory_space<vmem>>
      %dma_start3A_168 = tpu.memref_slice %arg2[%add3A_159] : memref<32768xf32, #tpu.memory_space<hbm>> -> memref<16xf32, #tpu.memory_space<hbm>>
      tpu.enqueue_dma source(%dma_start3A_168 : memref<16xf32, #tpu.memory_space<hbm>>) target(%dma_start3A_167 : memref<16xf32, #tpu.memory_space<vmem>>) target_semaphore(%arg10 : memref<!tpu.dma_semaphore, #tpu.memory_space<semaphore_mem>>)
      %add3A_169 = arith.constant 1792 : i32
      %add3A_170 = arith.addi %add3A_169, %mul3A_4 : i32
      %dma_start3A_171 = arith.constant 7 : i32
      %dma_start3A_172 = arith.constant 0 : i32
      %dma_start3A_173 = tpu.memref_slice %arg7[%dma_start3A_171, %dma_start3A_172] : memref<16x16xi32, #tpu.memory_space<vmem>> -> memref<1x16xi32, #tpu.memory_space<vmem>>
      %dma_start3A_174 = tpu.memref_squeeze %dma_start3A_173 : memref<1x16xi32, #tpu.memory_space<vmem>> -> memref<16xi32, #tpu.memory_space<vmem>>
      %dma_start3A_175 = tpu.memref_slice %arg3[%add3A_170] : memref<32768xi32, #tpu.memory_space<hbm>> -> memref<16xi32, #tpu.memory_space<hbm>>
      %dma_start3A_176 = arith.constant 0 : i32
      %dma_start3A_177 = tpu.memref_slice %arg7[%dma_start3A_171, %dma_start3A_176] : memref<16x16xi32, #tpu.memory_space<vmem>> -> memref<1x16xi32, #tpu.memory_space<vmem>>
      %dma_start3A_178 = tpu.memref_squeeze %dma_start3A_177 : memref<1x16xi32, #tpu.memory_space<vmem>> -> memref<16xi32, #tpu.memory_space<vmem>>
      %dma_start3A_179 = tpu.memref_slice %arg3[%add3A_170] : memref<32768xi32, #tpu.memory_space<hbm>> -> memref<16xi32, #tpu.memory_space<hbm>>
      tpu.enqueue_dma source(%dma_start3A_179 : memref<16xi32, #tpu.memory_space<hbm>>) target(%dma_start3A_178 : memref<16xi32, #tpu.memory_space<vmem>>) target_semaphore(%arg10 : memref<!tpu.dma_semaphore, #tpu.memory_space<semaphore_mem>>)
      %add3A_180 = arith.constant 2048 : i32
      %add3A_181 = arith.addi %add3A_180, %mul3A_4 : i32
      %dma_start3A_182 = arith.constant 8 : i32
      %dma_start3A_183 = arith.constant 0 : i32
      %dma_start3A_184 = tpu.memref_slice %arg6[%dma_start3A_182, %dma_start3A_183] : memref<16x16xf32, #tpu.memory_space<vmem>> -> memref<1x16xf32, #tpu.memory_space<vmem>>
      %dma_start3A_185 = tpu.memref_squeeze %dma_start3A_184 : memref<1x16xf32, #tpu.memory_space<vmem>> -> memref<16xf32, #tpu.memory_space<vmem>>
      %dma_start3A_186 = tpu.memref_slice %arg2[%add3A_181] : memref<32768xf32, #tpu.memory_space<hbm>> -> memref<16xf32, #tpu.memory_space<hbm>>
      %dma_start3A_187 = arith.constant 0 : i32
      %dma_start3A_188 = tpu.memref_slice %arg6[%dma_start3A_182, %dma_start3A_187] : memref<16x16xf32, #tpu.memory_space<vmem>> -> memref<1x16xf32, #tpu.memory_space<vmem>>
      %dma_start3A_189 = tpu.memref_squeeze %dma_start3A_188 : memref<1x16xf32, #tpu.memory_space<vmem>> -> memref<16xf32, #tpu.memory_space<vmem>>
      %dma_start3A_190 = tpu.memref_slice %arg2[%add3A_181] : memref<32768xf32, #tpu.memory_space<hbm>> -> memref<16xf32, #tpu.memory_space<hbm>>
      tpu.enqueue_dma source(%dma_start3A_190 : memref<16xf32, #tpu.memory_space<hbm>>) target(%dma_start3A_189 : memref<16xf32, #tpu.memory_space<vmem>>) target_semaphore(%arg10 : memref<!tpu.dma_semaphore, #tpu.memory_space<semaphore_mem>>)
      %add3A_191 = arith.constant 2048 : i32
      %add3A_192 = arith.addi %add3A_191, %mul3A_4 : i32
      %dma_start3A_193 = arith.constant 8 : i32
      %dma_start3A_194 = arith.constant 0 : i32
      %dma_start3A_195 = tpu.memref_slice %arg7[%dma_start3A_193, %dma_start3A_194] : memref<16x16xi32, #tpu.memory_space<vmem>> -> memref<1x16xi32, #tpu.memory_space<vmem>>
      %dma_start3A_196 = tpu.memref_squeeze %dma_start3A_195 : memref<1x16xi32, #tpu.memory_space<vmem>> -> memref<16xi32, #tpu.memory_space<vmem>>
      %dma_start3A_197 = tpu.memref_slice %arg3[%add3A_192] : memref<32768xi32, #tpu.memory_space<hbm>> -> memref<16xi32, #tpu.memory_space<hbm>>
      %dma_start3A_198 = arith.constant 0 : i32
      %dma_start3A_199 = tpu.memref_slice %arg7[%dma_start3A_193, %dma_start3A_198] : memref<16x16xi32, #tpu.memory_space<vmem>> -> memref<1x16xi32, #tpu.memory_space<vmem>>
      %dma_start3A_200 = tpu.memref_squeeze %dma_start3A_199 : memref<1x16xi32, #tpu.memory_space<vmem>> -> memref<16xi32, #tpu.memory_space<vmem>>
      %dma_start3A_201 = tpu.memref_slice %arg3[%add3A_192] : memref<32768xi32, #tpu.memory_space<hbm>> -> memref<16xi32, #tpu.memory_space<hbm>>
      tpu.enqueue_dma source(%dma_start3A_201 : memref<16xi32, #tpu.memory_space<hbm>>) target(%dma_start3A_200 : memref<16xi32, #tpu.memory_space<vmem>>) target_semaphore(%arg10 : memref<!tpu.dma_semaphore, #tpu.memory_space<semaphore_mem>>)
      %add3A_202 = arith.constant 2304 : i32
      %add3A_203 = arith.addi %add3A_202, %mul3A_4 : i32
      %dma_start3A_204 = arith.constant 9 : i32
      %dma_start3A_205 = arith.constant 0 : i32
      %dma_start3A_206 = tpu.memref_slice %arg6[%dma_start3A_204, %dma_start3A_205] : memref<16x16xf32, #tpu.memory_space<vmem>> -> memref<1x16xf32, #tpu.memory_space<vmem>>
      %dma_start3A_207 = tpu.memref_squeeze %dma_start3A_206 : memref<1x16xf32, #tpu.memory_space<vmem>> -> memref<16xf32, #tpu.memory_space<vmem>>
      %dma_start3A_208 = tpu.memref_slice %arg2[%add3A_203] : memref<32768xf32, #tpu.memory_space<hbm>> -> memref<16xf32, #tpu.memory_space<hbm>>
      %dma_start3A_209 = arith.constant 0 : i32
      %dma_start3A_210 = tpu.memref_slice %arg6[%dma_start3A_204, %dma_start3A_209] : memref<16x16xf32, #tpu.memory_space<vmem>> -> memref<1x16xf32, #tpu.memory_space<vmem>>
      %dma_start3A_211 = tpu.memref_squeeze %dma_start3A_210 : memref<1x16xf32, #tpu.memory_space<vmem>> -> memref<16xf32, #tpu.memory_space<vmem>>
      %dma_start3A_212 = tpu.memref_slice %arg2[%add3A_203] : memref<32768xf32, #tpu.memory_space<hbm>> -> memref<16xf32, #tpu.memory_space<hbm>>
      tpu.enqueue_dma source(%dma_start3A_212 : memref<16xf32, #tpu.memory_space<hbm>>) target(%dma_start3A_211 : memref<16xf32, #tpu.memory_space<vmem>>) target_semaphore(%arg10 : memref<!tpu.dma_semaphore, #tpu.memory_space<semaphore_mem>>)
      %add3A_213 = arith.constant 2304 : i32
      %add3A_214 = arith.addi %add3A_213, %mul3A_4 : i32
      %dma_start3A_215 = arith.constant 9 : i32
      %dma_start3A_216 = arith.constant 0 : i32
      %dma_start3A_217 = tpu.memref_slice %arg7[%dma_start3A_215, %dma_start3A_216] : memref<16x16xi32, #tpu.memory_space<vmem>> -> memref<1x16xi32, #tpu.memory_space<vmem>>
      %dma_start3A_218 = tpu.memref_squeeze %dma_start3A_217 : memref<1x16xi32, #tpu.memory_space<vmem>> -> memref<16xi32, #tpu.memory_space<vmem>>
      %dma_start3A_219 = tpu.memref_slice %arg3[%add3A_214] : memref<32768xi32, #tpu.memory_space<hbm>> -> memref<16xi32, #tpu.memory_space<hbm>>
      %dma_start3A_220 = arith.constant 0 : i32
      %dma_start3A_221 = tpu.memref_slice %arg7[%dma_start3A_215, %dma_start3A_220] : memref<16x16xi32, #tpu.memory_space<vmem>> -> memref<1x16xi32, #tpu.memory_space<vmem>>
      %dma_start3A_222 = tpu.memref_squeeze %dma_start3A_221 : memref<1x16xi32, #tpu.memory_space<vmem>> -> memref<16xi32, #tpu.memory_space<vmem>>
      %dma_start3A_223 = tpu.memref_slice %arg3[%add3A_214] : memref<32768xi32, #tpu.memory_space<hbm>> -> memref<16xi32, #tpu.memory_space<hbm>>
      tpu.enqueue_dma source(%dma_start3A_223 : memref<16xi32, #tpu.memory_space<hbm>>) target(%dma_start3A_222 : memref<16xi32, #tpu.memory_space<vmem>>) target_semaphore(%arg10 : memref<!tpu.dma_semaphore, #tpu.memory_space<semaphore_mem>>)
      %dma_wait3A = arith.constant 0 : i32
      %dma_wait3A_224 = arith.constant 0 : i32
      %dma_wait3A_225 = tpu.memref_slice %arg6[%dma_wait3A, %dma_wait3A_224] : memref<16x16xf32, #tpu.memory_space<vmem>> -> memref<1x16xf32, #tpu.memory_space<vmem>>
      %dma_wait3A_226 = tpu.memref_squeeze %dma_wait3A_225 : memref<1x16xf32, #tpu.memory_space<vmem>> -> memref<16xf32, #tpu.memory_space<vmem>>
      %dma_wait3A_227 = tpu.memref_slice %arg2[%add3A_6] : memref<32768xf32, #tpu.memory_space<hbm>> -> memref<16xf32, #tpu.memory_space<hbm>>
      %dma_wait3A_228 = arith.constant 0 : i32
      %dma_wait3A_229 = tpu.memref_slice %arg6[%dma_wait3A, %dma_wait3A_228] : memref<16x16xf32, #tpu.memory_space<vmem>> -> memref<1x16xf32, #tpu.memory_space<vmem>>
      %dma_wait3A_230 = tpu.memref_squeeze %dma_wait3A_229 : memref<1x16xf32, #tpu.memory_space<vmem>> -> memref<16xf32, #tpu.memory_space<vmem>>
      %dma_wait3A_231 = tpu.memref_slice %arg2[%add3A_6] : memref<32768xf32, #tpu.memory_space<hbm>> -> memref<16xf32, #tpu.memory_space<hbm>>
      tpu.wait_dma2 semaphore(%arg10 : memref<!tpu.dma_semaphore, #tpu.memory_space<semaphore_mem>>) src(%dma_wait3A_231 : memref<16xf32, #tpu.memory_space<hbm>>) dst(%dma_wait3A_230 : memref<16xf32, #tpu.memory_space<vmem>>)
      %dma_wait3A_232 = arith.constant 0 : i32
      %dma_wait3A_233 = arith.constant 0 : i32
      %dma_wait3A_234 = tpu.memref_slice %arg7[%dma_wait3A_232, %dma_wait3A_233] : memref<16x16xi32, #tpu.memory_space<vmem>> -> memref<1x16xi32, #tpu.memory_space<vmem>>
      %dma_wait3A_235 = tpu.memref_squeeze %dma_wait3A_234 : memref<1x16xi32, #tpu.memory_space<vmem>> -> memref<16xi32, #tpu.memory_space<vmem>>
      %dma_wait3A_236 = tpu.memref_slice %arg3[%add3A_16] : memref<32768xi32, #tpu.memory_space<hbm>> -> memref<16xi32, #tpu.memory_space<hbm>>
      %dma_wait3A_237 = arith.constant 0 : i32
      %dma_wait3A_238 = tpu.memref_slice %arg7[%dma_wait3A_232, %dma_wait3A_237] : memref<16x16xi32, #tpu.memory_space<vmem>> -> memref<1x16xi32, #tpu.memory_space<vmem>>
      %dma_wait3A_239 = tpu.memref_squeeze %dma_wait3A_238 : memref<1x16xi32, #tpu.memory_space<vmem>> -> memref<16xi32, #tpu.memory_space<vmem>>
      %dma_wait3A_240 = tpu.memref_slice %arg3[%add3A_16] : memref<32768xi32, #tpu.memory_space<hbm>> -> memref<16xi32, #tpu.memory_space<hbm>>
      tpu.wait_dma2 semaphore(%arg10 : memref<!tpu.dma_semaphore, #tpu.memory_space<semaphore_mem>>) src(%dma_wait3A_240 : memref<16xi32, #tpu.memory_space<hbm>>) dst(%dma_wait3A_239 : memref<16xi32, #tpu.memory_space<vmem>>)
      %dma_wait3A_241 = arith.constant 1 : i32
      %dma_wait3A_242 = arith.constant 0 : i32
      %dma_wait3A_243 = tpu.memref_slice %arg6[%dma_wait3A_241, %dma_wait3A_242] : memref<16x16xf32, #tpu.memory_space<vmem>> -> memref<1x16xf32, #tpu.memory_space<vmem>>
      %dma_wait3A_244 = tpu.memref_squeeze %dma_wait3A_243 : memref<1x16xf32, #tpu.memory_space<vmem>> -> memref<16xf32, #tpu.memory_space<vmem>>
      %dma_wait3A_245 = tpu.memref_slice %arg2[%add3A_27] : memref<32768xf32, #tpu.memory_space<hbm>> -> memref<16xf32, #tpu.memory_space<hbm>>
      %dma_wait3A_246 = arith.constant 0 : i32
      %dma_wait3A_247 = tpu.memref_slice %arg6[%dma_wait3A_241, %dma_wait3A_246] : memref<16x16xf32, #tpu.memory_space<vmem>> -> memref<1x16xf32, #tpu.memory_space<vmem>>
      %dma_wait3A_248 = tpu.memref_squeeze %dma_wait3A_247 : memref<1x16xf32, #tpu.memory_space<vmem>> -> memref<16xf32, #tpu.memory_space<vmem>>
      %dma_wait3A_249 = tpu.memref_slice %arg2[%add3A_27] : memref<32768xf32, #tpu.memory_space<hbm>> -> memref<16xf32, #tpu.memory_space<hbm>>
      tpu.wait_dma2 semaphore(%arg10 : memref<!tpu.dma_semaphore, #tpu.memory_space<semaphore_mem>>) src(%dma_wait3A_249 : memref<16xf32, #tpu.memory_space<hbm>>) dst(%dma_wait3A_248 : memref<16xf32, #tpu.memory_space<vmem>>)
      %dma_wait3A_250 = arith.constant 1 : i32
      %dma_wait3A_251 = arith.constant 0 : i32
      %dma_wait3A_252 = tpu.memref_slice %arg7[%dma_wait3A_250, %dma_wait3A_251] : memref<16x16xi32, #tpu.memory_space<vmem>> -> memref<1x16xi32, #tpu.memory_space<vmem>>
      %dma_wait3A_253 = tpu.memref_squeeze %dma_wait3A_252 : memref<1x16xi32, #tpu.memory_space<vmem>> -> memref<16xi32, #tpu.memory_space<vmem>>
      %dma_wait3A_254 = tpu.memref_slice %arg3[%add3A_38] : memref<32768xi32, #tpu.memory_space<hbm>> -> memref<16xi32, #tpu.memory_space<hbm>>
      %dma_wait3A_255 = arith.constant 0 : i32
      %dma_wait3A_256 = tpu.memref_slice %arg7[%dma_wait3A_250, %dma_wait3A_255] : memref<16x16xi32, #tpu.memory_space<vmem>> -> memref<1x16xi32, #tpu.memory_space<vmem>>
      %dma_wait3A_257 = tpu.memref_squeeze %dma_wait3A_256 : memref<1x16xi32, #tpu.memory_space<vmem>> -> memref<16xi32, #tpu.memory_space<vmem>>
      %dma_wait3A_258 = tpu.memref_slice %arg3[%add3A_38] : memref<32768xi32, #tpu.memory_space<hbm>> -> memref<16xi32, #tpu.memory_space<hbm>>
      tpu.wait_dma2 semaphore(%arg10 : memref<!tpu.dma_semaphore, #tpu.memory_space<semaphore_mem>>) src(%dma_wait3A_258 : memref<16xi32, #tpu.memory_space<hbm>>) dst(%dma_wait3A_257 : memref<16xi32, #tpu.memory_space<vmem>>)
      %dma_wait3A_259 = arith.constant 2 : i32
      %dma_wait3A_260 = arith.constant 0 : i32
      %dma_wait3A_261 = tpu.memref_slice %arg6[%dma_wait3A_259, %dma_wait3A_260] : memref<16x16xf32, #tpu.memory_space<vmem>> -> memref<1x16xf32, #tpu.memory_space<vmem>>
      %dma_wait3A_262 = tpu.memref_squeeze %dma_wait3A_261 : memref<1x16xf32, #tpu.memory_space<vmem>> -> memref<16xf32, #tpu.memory_space<vmem>>
      %dma_wait3A_263 = tpu.memref_slice %arg2[%add3A_49] : memref<32768xf32, #tpu.memory_space<hbm>> -> memref<16xf32, #tpu.memory_space<hbm>>
      %dma_wait3A_264 = arith.constant 0 : i32
      %dma_wait3A_265 = tpu.memref_slice %arg6[%dma_wait3A_259, %dma_wait3A_264] : memref<16x16xf32, #tpu.memory_space<vmem>> -> memref<1x16xf32, #tpu.memory_space<vmem>>
      %dma_wait3A_266 = tpu.memref_squeeze %dma_wait3A_265 : memref<1x16xf32, #tpu.memory_space<vmem>> -> memref<16xf32, #tpu.memory_space<vmem>>
      %dma_wait3A_267 = tpu.memref_slice %arg2[%add3A_49] : memref<32768xf32, #tpu.memory_space<hbm>> -> memref<16xf32, #tpu.memory_space<hbm>>
      tpu.wait_dma2 semaphore(%arg10 : memref<!tpu.dma_semaphore, #tpu.memory_space<semaphore_mem>>) src(%dma_wait3A_267 : memref<16xf32, #tpu.memory_space<hbm>>) dst(%dma_wait3A_266 : memref<16xf32, #tpu.memory_space<vmem>>)
      %dma_wait3A_268 = arith.constant 2 : i32
      %dma_wait3A_269 = arith.constant 0 : i32
      %dma_wait3A_270 = tpu.memref_slice %arg7[%dma_wait3A_268, %dma_wait3A_269] : memref<16x16xi32, #tpu.memory_space<vmem>> -> memref<1x16xi32, #tpu.memory_space<vmem>>
      %dma_wait3A_271 = tpu.memref_squeeze %dma_wait3A_270 : memref<1x16xi32, #tpu.memory_space<vmem>> -> memref<16xi32, #tpu.memory_space<vmem>>
      %dma_wait3A_272 = tpu.memref_slice %arg3[%add3A_60] : memref<32768xi32, #tpu.memory_space<hbm>> -> memref<16xi32, #tpu.memory_space<hbm>>
      %dma_wait3A_273 = arith.constant 0 : i32
      %dma_wait3A_274 = tpu.memref_slice %arg7[%dma_wait3A_268, %dma_wait3A_273] : memref<16x16xi32, #tpu.memory_space<vmem>> -> memref<1x16xi32, #tpu.memory_space<vmem>>
      %dma_wait3A_275 = tpu.memref_squeeze %dma_wait3A_274 : memref<1x16xi32, #tpu.memory_space<vmem>> -> memref<16xi32, #tpu.memory_space<vmem>>
      %dma_wait3A_276 = tpu.memref_slice %arg3[%add3A_60] : memref<32768xi32, #tpu.memory_space<hbm>> -> memref<16xi32, #tpu.memory_space<hbm>>
      tpu.wait_dma2 semaphore(%arg10 : memref<!tpu.dma_semaphore, #tpu.memory_space<semaphore_mem>>) src(%dma_wait3A_276 : memref<16xi32, #tpu.memory_space<hbm>>) dst(%dma_wait3A_275 : memref<16xi32, #tpu.memory_space<vmem>>)
      %dma_wait3A_277 = arith.constant 3 : i32
      %dma_wait3A_278 = arith.constant 0 : i32
      %dma_wait3A_279 = tpu.memref_slice %arg6[%dma_wait3A_277, %dma_wait3A_278] : memref<16x16xf32, #tpu.memory_space<vmem>> -> memref<1x16xf32, #tpu.memory_space<vmem>>
      %dma_wait3A_280 = tpu.memref_squeeze %dma_wait3A_279 : memref<1x16xf32, #tpu.memory_space<vmem>> -> memref<16xf32, #tpu.memory_space<vmem>>
      %dma_wait3A_281 = tpu.memref_slice %arg2[%add3A_71] : memref<32768xf32, #tpu.memory_space<hbm>> -> memref<16xf32, #tpu.memory_space<hbm>>
      %dma_wait3A_282 = arith.constant 0 : i32
      %dma_wait3A_283 = tpu.memref_slice %arg6[%dma_wait3A_277, %dma_wait3A_282] : memref<16x16xf32, #tpu.memory_space<vmem>> -> memref<1x16xf32, #tpu.memory_space<vmem>>
      %dma_wait3A_284 = tpu.memref_squeeze %dma_wait3A_283 : memref<1x16xf32, #tpu.memory_space<vmem>> -> memref<16xf32, #tpu.memory_space<vmem>>
      %dma_wait3A_285 = tpu.memref_slice %arg2[%add3A_71] : memref<32768xf32, #tpu.memory_space<hbm>> -> memref<16xf32, #tpu.memory_space<hbm>>
      tpu.wait_dma2 semaphore(%arg10 : memref<!tpu.dma_semaphore, #tpu.memory_space<semaphore_mem>>) src(%dma_wait3A_285 : memref<16xf32, #tpu.memory_space<hbm>>) dst(%dma_wait3A_284 : memref<16xf32, #tpu.memory_space<vmem>>)
      %dma_wait3A_286 = arith.constant 3 : i32
      %dma_wait3A_287 = arith.constant 0 : i32
      %dma_wait3A_288 = tpu.memref_slice %arg7[%dma_wait3A_286, %dma_wait3A_287] : memref<16x16xi32, #tpu.memory_space<vmem>> -> memref<1x16xi32, #tpu.memory_space<vmem>>
      %dma_wait3A_289 = tpu.memref_squeeze %dma_wait3A_288 : memref<1x16xi32, #tpu.memory_space<vmem>> -> memref<16xi32, #tpu.memory_space<vmem>>
      %dma_wait3A_290 = tpu.memref_slice %arg3[%add3A_82] : memref<32768xi32, #tpu.memory_space<hbm>> -> memref<16xi32, #tpu.memory_space<hbm>>
      %dma_wait3A_291 = arith.constant 0 : i32
      %dma_wait3A_292 = tpu.memref_slice %arg7[%dma_wait3A_286, %dma_wait3A_291] : memref<16x16xi32, #tpu.memory_space<vmem>> -> memref<1x16xi32, #tpu.memory_space<vmem>>
      %dma_wait3A_293 = tpu.memref_squeeze %dma_wait3A_292 : memref<1x16xi32, #tpu.memory_space<vmem>> -> memref<16xi32, #tpu.memory_space<vmem>>
      %dma_wait3A_294 = tpu.memref_slice %arg3[%add3A_82] : memref<32768xi32, #tpu.memory_space<hbm>> -> memref<16xi32, #tpu.memory_space<hbm>>
      tpu.wait_dma2 semaphore(%arg10 : memref<!tpu.dma_semaphore, #tpu.memory_space<semaphore_mem>>) src(%dma_wait3A_294 : memref<16xi32, #tpu.memory_space<hbm>>) dst(%dma_wait3A_293 : memref<16xi32, #tpu.memory_space<vmem>>)
      %dma_wait3A_295 = arith.constant 4 : i32
      %dma_wait3A_296 = arith.constant 0 : i32
      %dma_wait3A_297 = tpu.memref_slice %arg6[%dma_wait3A_295, %dma_wait3A_296] : memref<16x16xf32, #tpu.memory_space<vmem>> -> memref<1x16xf32, #tpu.memory_space<vmem>>
      %dma_wait3A_298 = tpu.memref_squeeze %dma_wait3A_297 : memref<1x16xf32, #tpu.memory_space<vmem>> -> memref<16xf32, #tpu.memory_space<vmem>>
      %dma_wait3A_299 = tpu.memref_slice %arg2[%add3A_93] : memref<32768xf32, #tpu.memory_space<hbm>> -> memref<16xf32, #tpu.memory_space<hbm>>
      %dma_wait3A_300 = arith.constant 0 : i32
      %dma_wait3A_301 = tpu.memref_slice %arg6[%dma_wait3A_295, %dma_wait3A_300] : memref<16x16xf32, #tpu.memory_space<vmem>> -> memref<1x16xf32, #tpu.memory_space<vmem>>
      %dma_wait3A_302 = tpu.memref_squeeze %dma_wait3A_301 : memref<1x16xf32, #tpu.memory_space<vmem>> -> memref<16xf32, #tpu.memory_space<vmem>>
      %dma_wait3A_303 = tpu.memref_slice %arg2[%add3A_93] : memref<32768xf32, #tpu.memory_space<hbm>> -> memref<16xf32, #tpu.memory_space<hbm>>
      tpu.wait_dma2 semaphore(%arg10 : memref<!tpu.dma_semaphore, #tpu.memory_space<semaphore_mem>>) src(%dma_wait3A_303 : memref<16xf32, #tpu.memory_space<hbm>>) dst(%dma_wait3A_302 : memref<16xf32, #tpu.memory_space<vmem>>)
      %dma_wait3A_304 = arith.constant 4 : i32
      %dma_wait3A_305 = arith.constant 0 : i32
      %dma_wait3A_306 = tpu.memref_slice %arg7[%dma_wait3A_304, %dma_wait3A_305] : memref<16x16xi32, #tpu.memory_space<vmem>> -> memref<1x16xi32, #tpu.memory_space<vmem>>
      %dma_wait3A_307 = tpu.memref_squeeze %dma_wait3A_306 : memref<1x16xi32, #tpu.memory_space<vmem>> -> memref<16xi32, #tpu.memory_space<vmem>>
      %dma_wait3A_308 = tpu.memref_slice %arg3[%add3A_104] : memref<32768xi32, #tpu.memory_space<hbm>> -> memref<16xi32, #tpu.memory_space<hbm>>
      %dma_wait3A_309 = arith.constant 0 : i32
      %dma_wait3A_310 = tpu.memref_slice %arg7[%dma_wait3A_304, %dma_wait3A_309] : memref<16x16xi32, #tpu.memory_space<vmem>> -> memref<1x16xi32, #tpu.memory_space<vmem>>
      %dma_wait3A_311 = tpu.memref_squeeze %dma_wait3A_310 : memref<1x16xi32, #tpu.memory_space<vmem>> -> memref<16xi32, #tpu.memory_space<vmem>>
      %dma_wait3A_312 = tpu.memref_slice %arg3[%add3A_104] : memref<32768xi32, #tpu.memory_space<hbm>> -> memref<16xi32, #tpu.memory_space<hbm>>
      tpu.wait_dma2 semaphore(%arg10 : memref<!tpu.dma_semaphore, #tpu.memory_space<semaphore_mem>>) src(%dma_wait3A_312 : memref<16xi32, #tpu.memory_space<hbm>>) dst(%dma_wait3A_311 : memref<16xi32, #tpu.memory_space<vmem>>)
      %dma_wait3A_313 = arith.constant 5 : i32
      %dma_wait3A_314 = arith.constant 0 : i32
      %dma_wait3A_315 = tpu.memref_slice %arg6[%dma_wait3A_313, %dma_wait3A_314] : memref<16x16xf32, #tpu.memory_space<vmem>> -> memref<1x16xf32, #tpu.memory_space<vmem>>
      %dma_wait3A_316 = tpu.memref_squeeze %dma_wait3A_315 : memref<1x16xf32, #tpu.memory_space<vmem>> -> memref<16xf32, #tpu.memory_space<vmem>>
      %dma_wait3A_317 = tpu.memref_slice %arg2[%add3A_115] : memref<32768xf32, #tpu.memory_space<hbm>> -> memref<16xf32, #tpu.memory_space<hbm>>
      %dma_wait3A_318 = arith.constant 0 : i32
      %dma_wait3A_319 = tpu.memref_slice %arg6[%dma_wait3A_313, %dma_wait3A_318] : memref<16x16xf32, #tpu.memory_space<vmem>> -> memref<1x16xf32, #tpu.memory_space<vmem>>
      %dma_wait3A_320 = tpu.memref_squeeze %dma_wait3A_319 : memref<1x16xf32, #tpu.memory_space<vmem>> -> memref<16xf32, #tpu.memory_space<vmem>>
      %dma_wait3A_321 = tpu.memref_slice %arg2[%add3A_115] : memref<32768xf32, #tpu.memory_space<hbm>> -> memref<16xf32, #tpu.memory_space<hbm>>
      tpu.wait_dma2 semaphore(%arg10 : memref<!tpu.dma_semaphore, #tpu.memory_space<semaphore_mem>>) src(%dma_wait3A_321 : memref<16xf32, #tpu.memory_space<hbm>>) dst(%dma_wait3A_320 : memref<16xf32, #tpu.memory_space<vmem>>)
      %dma_wait3A_322 = arith.constant 5 : i32
      %dma_wait3A_323 = arith.constant 0 : i32
      %dma_wait3A_324 = tpu.memref_slice %arg7[%dma_wait3A_322, %dma_wait3A_323] : memref<16x16xi32, #tpu.memory_space<vmem>> -> memref<1x16xi32, #tpu.memory_space<vmem>>
      %dma_wait3A_325 = tpu.memref_squeeze %dma_wait3A_324 : memref<1x16xi32, #tpu.memory_space<vmem>> -> memref<16xi32, #tpu.memory_space<vmem>>
      %dma_wait3A_326 = tpu.memref_slice %arg3[%add3A_126] : memref<32768xi32, #tpu.memory_space<hbm>> -> memref<16xi32, #tpu.memory_space<hbm>>
      %dma_wait3A_327 = arith.constant 0 : i32
      %dma_wait3A_328 = tpu.memref_slice %arg7[%dma_wait3A_322, %dma_wait3A_327] : memref<16x16xi32, #tpu.memory_space<vmem>> -> memref<1x16xi32, #tpu.memory_space<vmem>>
      %dma_wait3A_329 = tpu.memref_squeeze %dma_wait3A_328 : memref<1x16xi32, #tpu.memory_space<vmem>> -> memref<16xi32, #tpu.memory_space<vmem>>
      %dma_wait3A_330 = tpu.memref_slice %arg3[%add3A_126] : memref<32768xi32, #tpu.memory_space<hbm>> -> memref<16xi32, #tpu.memory_space<hbm>>
      tpu.wait_dma2 semaphore(%arg10 : memref<!tpu.dma_semaphore, #tpu.memory_space<semaphore_mem>>) src(%dma_wait3A_330 : memref<16xi32, #tpu.memory_space<hbm>>) dst(%dma_wait3A_329 : memref<16xi32, #tpu.memory_space<vmem>>)
      %dma_wait3A_331 = arith.constant 6 : i32
      %dma_wait3A_332 = arith.constant 0 : i32
      %dma_wait3A_333 = tpu.memref_slice %arg6[%dma_wait3A_331, %dma_wait3A_332] : memref<16x16xf32, #tpu.memory_space<vmem>> -> memref<1x16xf32, #tpu.memory_space<vmem>>
      %dma_wait3A_334 = tpu.memref_squeeze %dma_wait3A_333 : memref<1x16xf32, #tpu.memory_space<vmem>> -> memref<16xf32, #tpu.memory_space<vmem>>
      %dma_wait3A_335 = tpu.memref_slice %arg2[%add3A_137] : memref<32768xf32, #tpu.memory_space<hbm>> -> memref<16xf32, #tpu.memory_space<hbm>>
      %dma_wait3A_336 = arith.constant 0 : i32
      %dma_wait3A_337 = tpu.memref_slice %arg6[%dma_wait3A_331, %dma_wait3A_336] : memref<16x16xf32, #tpu.memory_space<vmem>> -> memref<1x16xf32, #tpu.memory_space<vmem>>
      %dma_wait3A_338 = tpu.memref_squeeze %dma_wait3A_337 : memref<1x16xf32, #tpu.memory_space<vmem>> -> memref<16xf32, #tpu.memory_space<vmem>>
      %dma_wait3A_339 = tpu.memref_slice %arg2[%add3A_137] : memref<32768xf32, #tpu.memory_space<hbm>> -> memref<16xf32, #tpu.memory_space<hbm>>
      tpu.wait_dma2 semaphore(%arg10 : memref<!tpu.dma_semaphore, #tpu.memory_space<semaphore_mem>>) src(%dma_wait3A_339 : memref<16xf32, #tpu.memory_space<hbm>>) dst(%dma_wait3A_338 : memref<16xf32, #tpu.memory_space<vmem>>)
      %dma_wait3A_340 = arith.constant 6 : i32
      %dma_wait3A_341 = arith.constant 0 : i32
      %dma_wait3A_342 = tpu.memref_slice %arg7[%dma_wait3A_340, %dma_wait3A_341] : memref<16x16xi32, #tpu.memory_space<vmem>> -> memref<1x16xi32, #tpu.memory_space<vmem>>
      %dma_wait3A_343 = tpu.memref_squeeze %dma_wait3A_342 : memref<1x16xi32, #tpu.memory_space<vmem>> -> memref<16xi32, #tpu.memory_space<vmem>>
      %dma_wait3A_344 = tpu.memref_slice %arg3[%add3A_148] : memref<32768xi32, #tpu.memory_space<hbm>> -> memref<16xi32, #tpu.memory_space<hbm>>
      %dma_wait3A_345 = arith.constant 0 : i32
      %dma_wait3A_346 = tpu.memref_slice %arg7[%dma_wait3A_340, %dma_wait3A_345] : memref<16x16xi32, #tpu.memory_space<vmem>> -> memref<1x16xi32, #tpu.memory_space<vmem>>
      %dma_wait3A_347 = tpu.memref_squeeze %dma_wait3A_346 : memref<1x16xi32, #tpu.memory_space<vmem>> -> memref<16xi32, #tpu.memory_space<vmem>>
      %dma_wait3A_348 = tpu.memref_slice %arg3[%add3A_148] : memref<32768xi32, #tpu.memory_space<hbm>> -> memref<16xi32, #tpu.memory_space<hbm>>
      tpu.wait_dma2 semaphore(%arg10 : memref<!tpu.dma_semaphore, #tpu.memory_space<semaphore_mem>>) src(%dma_wait3A_348 : memref<16xi32, #tpu.memory_space<hbm>>) dst(%dma_wait3A_347 : memref<16xi32, #tpu.memory_space<vmem>>)
      %dma_wait3A_349 = arith.constant 7 : i32
      %dma_wait3A_350 = arith.constant 0 : i32
      %dma_wait3A_351 = tpu.memref_slice %arg6[%dma_wait3A_349, %dma_wait3A_350] : memref<16x16xf32, #tpu.memory_space<vmem>> -> memref<1x16xf32, #tpu.memory_space<vmem>>
      %dma_wait3A_352 = tpu.memref_squeeze %dma_wait3A_351 : memref<1x16xf32, #tpu.memory_space<vmem>> -> memref<16xf32, #tpu.memory_space<vmem>>
      %dma_wait3A_353 = tpu.memref_slice %arg2[%add3A_159] : memref<32768xf32, #tpu.memory_space<hbm>> -> memref<16xf32, #tpu.memory_space<hbm>>
      %dma_wait3A_354 = arith.constant 0 : i32
      %dma_wait3A_355 = tpu.memref_slice %arg6[%dma_wait3A_349, %dma_wait3A_354] : memref<16x16xf32, #tpu.memory_space<vmem>> -> memref<1x16xf32, #tpu.memory_space<vmem>>
      %dma_wait3A_356 = tpu.memref_squeeze %dma_wait3A_355 : memref<1x16xf32, #tpu.memory_space<vmem>> -> memref<16xf32, #tpu.memory_space<vmem>>
      %dma_wait3A_357 = tpu.memref_slice %arg2[%add3A_159] : memref<32768xf32, #tpu.memory_space<hbm>> -> memref<16xf32, #tpu.memory_space<hbm>>
      tpu.wait_dma2 semaphore(%arg10 : memref<!tpu.dma_semaphore, #tpu.memory_space<semaphore_mem>>) src(%dma_wait3A_357 : memref<16xf32, #tpu.memory_space<hbm>>) dst(%dma_wait3A_356 : memref<16xf32, #tpu.memory_space<vmem>>)
      %dma_wait3A_358 = arith.constant 7 : i32
      %dma_wait3A_359 = arith.constant 0 : i32
      %dma_wait3A_360 = tpu.memref_slice %arg7[%dma_wait3A_358, %dma_wait3A_359] : memref<16x16xi32, #tpu.memory_space<vmem>> -> memref<1x16xi32, #tpu.memory_space<vmem>>
      %dma_wait3A_361 = tpu.memref_squeeze %dma_wait3A_360 : memref<1x16xi32, #tpu.memory_space<vmem>> -> memref<16xi32, #tpu.memory_space<vmem>>
      %dma_wait3A_362 = tpu.memref_slice %arg3[%add3A_170] : memref<32768xi32, #tpu.memory_space<hbm>> -> memref<16xi32, #tpu.memory_space<hbm>>
      %dma_wait3A_363 = arith.constant 0 : i32
      %dma_wait3A_364 = tpu.memref_slice %arg7[%dma_wait3A_358, %dma_wait3A_363] : memref<16x16xi32, #tpu.memory_space<vmem>> -> memref<1x16xi32, #tpu.memory_space<vmem>>
      %dma_wait3A_365 = tpu.memref_squeeze %dma_wait3A_364 : memref<1x16xi32, #tpu.memory_space<vmem>> -> memref<16xi32, #tpu.memory_space<vmem>>
      %dma_wait3A_366 = tpu.memref_slice %arg3[%add3A_170] : memref<32768xi32, #tpu.memory_space<hbm>> -> memref<16xi32, #tpu.memory_space<hbm>>
      tpu.wait_dma2 semaphore(%arg10 : memref<!tpu.dma_semaphore, #tpu.memory_space<semaphore_mem>>) src(%dma_wait3A_366 : memref<16xi32, #tpu.memory_space<hbm>>) dst(%dma_wait3A_365 : memref<16xi32, #tpu.memory_space<vmem>>)
      %dma_wait3A_367 = arith.constant 8 : i32
      %dma_wait3A_368 = arith.constant 0 : i32
      %dma_wait3A_369 = tpu.memref_slice %arg6[%dma_wait3A_367, %dma_wait3A_368] : memref<16x16xf32, #tpu.memory_space<vmem>> -> memref<1x16xf32, #tpu.memory_space<vmem>>
      %dma_wait3A_370 = tpu.memref_squeeze %dma_wait3A_369 : memref<1x16xf32, #tpu.memory_space<vmem>> -> memref<16xf32, #tpu.memory_space<vmem>>
      %dma_wait3A_371 = tpu.memref_slice %arg2[%add3A_181] : memref<32768xf32, #tpu.memory_space<hbm>> -> memref<16xf32, #tpu.memory_space<hbm>>
      %dma_wait3A_372 = arith.constant 0 : i32
      %dma_wait3A_373 = tpu.memref_slice %arg6[%dma_wait3A_367, %dma_wait3A_372] : memref<16x16xf32, #tpu.memory_space<vmem>> -> memref<1x16xf32, #tpu.memory_space<vmem>>
      %dma_wait3A_374 = tpu.memref_squeeze %dma_wait3A_373 : memref<1x16xf32, #tpu.memory_space<vmem>> -> memref<16xf32, #tpu.memory_space<vmem>>
      %dma_wait3A_375 = tpu.memref_slice %arg2[%add3A_181] : memref<32768xf32, #tpu.memory_space<hbm>> -> memref<16xf32, #tpu.memory_space<hbm>>
      tpu.wait_dma2 semaphore(%arg10 : memref<!tpu.dma_semaphore, #tpu.memory_space<semaphore_mem>>) src(%dma_wait3A_375 : memref<16xf32, #tpu.memory_space<hbm>>) dst(%dma_wait3A_374 : memref<16xf32, #tpu.memory_space<vmem>>)
      %dma_wait3A_376 = arith.constant 8 : i32
      %dma_wait3A_377 = arith.constant 0 : i32
      %dma_wait3A_378 = tpu.memref_slice %arg7[%dma_wait3A_376, %dma_wait3A_377] : memref<16x16xi32, #tpu.memory_space<vmem>> -> memref<1x16xi32, #tpu.memory_space<vmem>>
      %dma_wait3A_379 = tpu.memref_squeeze %dma_wait3A_378 : memref<1x16xi32, #tpu.memory_space<vmem>> -> memref<16xi32, #tpu.memory_space<vmem>>
      %dma_wait3A_380 = tpu.memref_slice %arg3[%add3A_192] : memref<32768xi32, #tpu.memory_space<hbm>> -> memref<16xi32, #tpu.memory_space<hbm>>
      %dma_wait3A_381 = arith.constant 0 : i32
      %dma_wait3A_382 = tpu.memref_slice %arg7[%dma_wait3A_376, %dma_wait3A_381] : memref<16x16xi32, #tpu.memory_space<vmem>> -> memref<1x16xi32, #tpu.memory_space<vmem>>
      %dma_wait3A_383 = tpu.memref_squeeze %dma_wait3A_382 : memref<1x16xi32, #tpu.memory_space<vmem>> -> memref<16xi32, #tpu.memory_space<vmem>>
      %dma_wait3A_384 = tpu.memref_slice %arg3[%add3A_192] : memref<32768xi32, #tpu.memory_space<hbm>> -> memref<16xi32, #tpu.memory_space<hbm>>
      tpu.wait_dma2 semaphore(%arg10 : memref<!tpu.dma_semaphore, #tpu.memory_space<semaphore_mem>>) src(%dma_wait3A_384 : memref<16xi32, #tpu.memory_space<hbm>>) dst(%dma_wait3A_383 : memref<16xi32, #tpu.memory_space<vmem>>)
      %dma_wait3A_385 = arith.constant 9 : i32
      %dma_wait3A_386 = arith.constant 0 : i32
      %dma_wait3A_387 = tpu.memref_slice %arg6[%dma_wait3A_385, %dma_wait3A_386] : memref<16x16xf32, #tpu.memory_space<vmem>> -> memref<1x16xf32, #tpu.memory_space<vmem>>
      %dma_wait3A_388 = tpu.memref_squeeze %dma_wait3A_387 : memref<1x16xf32, #tpu.memory_space<vmem>> -> memref<16xf32, #tpu.memory_space<vmem>>
      %dma_wait3A_389 = tpu.memref_slice %arg2[%add3A_203] : memref<32768xf32, #tpu.memory_space<hbm>> -> memref<16xf32, #tpu.memory_space<hbm>>
      %dma_wait3A_390 = arith.constant 0 : i32
      %dma_wait3A_391 = tpu.memref_slice %arg6[%dma_wait3A_385, %dma_wait3A_390] : memref<16x16xf32, #tpu.memory_space<vmem>> -> memref<1x16xf32, #tpu.memory_space<vmem>>
      %dma_wait3A_392 = tpu.memref_squeeze %dma_wait3A_391 : memref<1x16xf32, #tpu.memory_space<vmem>> -> memref<16xf32, #tpu.memory_space<vmem>>
      %dma_wait3A_393 = tpu.memref_slice %arg2[%add3A_203] : memref<32768xf32, #tpu.memory_space<hbm>> -> memref<16xf32, #tpu.memory_space<hbm>>
      tpu.wait_dma2 semaphore(%arg10 : memref<!tpu.dma_semaphore, #tpu.memory_space<semaphore_mem>>) src(%dma_wait3A_393 : memref<16xf32, #tpu.memory_space<hbm>>) dst(%dma_wait3A_392 : memref<16xf32, #tpu.memory_space<vmem>>)
      %dma_wait3A_394 = arith.constant 9 : i32
      %dma_wait3A_395 = arith.constant 0 : i32
      %dma_wait3A_396 = tpu.memref_slice %arg7[%dma_wait3A_394, %dma_wait3A_395] : memref<16x16xi32, #tpu.memory_space<vmem>> -> memref<1x16xi32, #tpu.memory_space<vmem>>
      %dma_wait3A_397 = tpu.memref_squeeze %dma_wait3A_396 : memref<1x16xi32, #tpu.memory_space<vmem>> -> memref<16xi32, #tpu.memory_space<vmem>>
      %dma_wait3A_398 = tpu.memref_slice %arg3[%add3A_214] : memref<32768xi32, #tpu.memory_space<hbm>> -> memref<16xi32, #tpu.memory_space<hbm>>
      %dma_wait3A_399 = arith.constant 0 : i32
      %dma_wait3A_400 = tpu.memref_slice %arg7[%dma_wait3A_394, %dma_wait3A_399] : memref<16x16xi32, #tpu.memory_space<vmem>> -> memref<1x16xi32, #tpu.memory_space<vmem>>
      %dma_wait3A_401 = tpu.memref_squeeze %dma_wait3A_400 : memref<1x16xi32, #tpu.memory_space<vmem>> -> memref<16xi32, #tpu.memory_space<vmem>>
      %dma_wait3A_402 = tpu.memref_slice %arg3[%add3A_214] : memref<32768xi32, #tpu.memory_space<hbm>> -> memref<16xi32, #tpu.memory_space<hbm>>
      tpu.wait_dma2 semaphore(%arg10 : memref<!tpu.dma_semaphore, #tpu.memory_space<semaphore_mem>>) src(%dma_wait3A_402 : memref<16xi32, #tpu.memory_space<hbm>>) dst(%dma_wait3A_401 : memref<16xi32, #tpu.memory_space<vmem>>)
      %get3A = arith.constant 0 : i32
      %get3A_403 = arith.index_cast %get3A : i32 to index
      %get3A_404 = arith.constant 0 : index
      %get3A_405 = tpu.vector_load %arg7[%get3A_403, %get3A_404] {strides = array<i32>} : memref<16x16xi32, #tpu.memory_space<vmem>>, vector<1x16xi32>,
      %get3A_406 = vector.shape_cast %get3A_405 : vector<1x16xi32> to vector<16xi32>
      %dma_start3A_407 = arith.constant 0 : i32
      %dma_start3A_408 = arith.constant 0 : i32
      %dma_start3A_409 = tpu.memref_slice %arg8[%dma_start3A_407, %dma_start3A_408] : memref<16x16xf32, #tpu.memory_space<vmem>> -> memref<1x16xf32, #tpu.memory_space<vmem>>
      %dma_start3A_410 = tpu.memref_squeeze %dma_start3A_409 : memref<1x16xf32, #tpu.memory_space<vmem>> -> memref<16xf32, #tpu.memory_space<vmem>>
      %dma_start3A_411 = arith.constant 0 : i32
      %dma_start3A_412 = tpu.memref_slice %arg4[%dma_start3A_411] : memref<250000xf32, #tpu.memory_space<hbm>> -> memref<250000xf32, #tpu.memory_space<hbm>>
      tpu.enqueue_indirect_dma source(%dma_start3A_412 : memref<250000xf32, #tpu.memory_space<hbm>>) target(%dma_start3A_410 : memref<16xf32, #tpu.memory_space<vmem>>) offsets(%get3A_406 : vector<16xi32>) semaphore(%arg10 : memref<!tpu.dma_semaphore, #tpu.memory_space<semaphore_mem>>)
      %get3A_413 = arith.constant 1 : i32
      %get3A_414 = arith.index_cast %get3A_413 : i32 to index
      %get3A_415 = arith.constant 0 : index
      %get3A_416 = tpu.vector_load %arg7[%get3A_414, %get3A_415] {strides = array<i32>} : memref<16x16xi32, #tpu.memory_space<vmem>>, vector<1x16xi32>,
      %get3A_417 = vector.shape_cast %get3A_416 : vector<1x16xi32> to vector<16xi32>
      %dma_start3A_418 = arith.constant 1 : i32
      %dma_start3A_419 = arith.constant 0 : i32
      %dma_start3A_420 = tpu.memref_slice %arg8[%dma_start3A_418, %dma_start3A_419] : memref<16x16xf32, #tpu.memory_space<vmem>> -> memref<1x16xf32, #tpu.memory_space<vmem>>
      %dma_start3A_421 = tpu.memref_squeeze %dma_start3A_420 : memref<1x16xf32, #tpu.memory_space<vmem>> -> memref<16xf32, #tpu.memory_space<vmem>>
      %dma_start3A_422 = arith.constant 0 : i32
      %dma_start3A_423 = tpu.memref_slice %arg4[%dma_start3A_422] : memref<250000xf32, #tpu.memory_space<hbm>> -> memref<250000xf32, #tpu.memory_space<hbm>>
      tpu.enqueue_indirect_dma source(%dma_start3A_423 : memref<250000xf32, #tpu.memory_space<hbm>>) target(%dma_start3A_421 : memref<16xf32, #tpu.memory_space<vmem>>) offsets(%get3A_417 : vector<16xi32>) semaphore(%arg10 : memref<!tpu.dma_semaphore, #tpu.memory_space<semaphore_mem>>)
      %get3A_424 = arith.constant 2 : i32
      %get3A_425 = arith.index_cast %get3A_424 : i32 to index
      %get3A_426 = arith.constant 0 : index
      %get3A_427 = tpu.vector_load %arg7[%get3A_425, %get3A_426] {strides = array<i32>} : memref<16x16xi32, #tpu.memory_space<vmem>>, vector<1x16xi32>,
      %get3A_428 = vector.shape_cast %get3A_427 : vector<1x16xi32> to vector<16xi32>
      %dma_start3A_429 = arith.constant 2 : i32
      %dma_start3A_430 = arith.constant 0 : i32
      %dma_start3A_431 = tpu.memref_slice %arg8[%dma_start3A_429, %dma_start3A_430] : memref<16x16xf32, #tpu.memory_space<vmem>> -> memref<1x16xf32, #tpu.memory_space<vmem>>
      %dma_start3A_432 = tpu.memref_squeeze %dma_start3A_431 : memref<1x16xf32, #tpu.memory_space<vmem>> -> memref<16xf32, #tpu.memory_space<vmem>>
      %dma_start3A_433 = arith.constant 0 : i32
      %dma_start3A_434 = tpu.memref_slice %arg4[%dma_start3A_433] : memref<250000xf32, #tpu.memory_space<hbm>> -> memref<250000xf32, #tpu.memory_space<hbm>>
      tpu.enqueue_indirect_dma source(%dma_start3A_434 : memref<250000xf32, #tpu.memory_space<hbm>>) target(%dma_start3A_432 : memref<16xf32, #tpu.memory_space<vmem>>) offsets(%get3A_428 : vector<16xi32>) semaphore(%arg10 : memref<!tpu.dma_semaphore, #tpu.memory_space<semaphore_mem>>)
      %get3A_435 = arith.constant 3 : i32
      %get3A_436 = arith.index_cast %get3A_435 : i32 to index
      %get3A_437 = arith.constant 0 : index
      %get3A_438 = tpu.vector_load %arg7[%get3A_436, %get3A_437] {strides = array<i32>} : memref<16x16xi32, #tpu.memory_space<vmem>>, vector<1x16xi32>,
      %get3A_439 = vector.shape_cast %get3A_438 : vector<1x16xi32> to vector<16xi32>
      %dma_start3A_440 = arith.constant 3 : i32
      %dma_start3A_441 = arith.constant 0 : i32
      %dma_start3A_442 = tpu.memref_slice %arg8[%dma_start3A_440, %dma_start3A_441] : memref<16x16xf32, #tpu.memory_space<vmem>> -> memref<1x16xf32, #tpu.memory_space<vmem>>
      %dma_start3A_443 = tpu.memref_squeeze %dma_start3A_442 : memref<1x16xf32, #tpu.memory_space<vmem>> -> memref<16xf32, #tpu.memory_space<vmem>>
      %dma_start3A_444 = arith.constant 0 : i32
      %dma_start3A_445 = tpu.memref_slice %arg4[%dma_start3A_444] : memref<250000xf32, #tpu.memory_space<hbm>> -> memref<250000xf32, #tpu.memory_space<hbm>>
      tpu.enqueue_indirect_dma source(%dma_start3A_445 : memref<250000xf32, #tpu.memory_space<hbm>>) target(%dma_start3A_443 : memref<16xf32, #tpu.memory_space<vmem>>) offsets(%get3A_439 : vector<16xi32>) semaphore(%arg10 : memref<!tpu.dma_semaphore, #tpu.memory_space<semaphore_mem>>)
      %get3A_446 = arith.constant 4 : i32
      %get3A_447 = arith.index_cast %get3A_446 : i32 to index
      %get3A_448 = arith.constant 0 : index
      %get3A_449 = tpu.vector_load %arg7[%get3A_447, %get3A_448] {strides = array<i32>} : memref<16x16xi32, #tpu.memory_space<vmem>>, vector<1x16xi32>,
      %get3A_450 = vector.shape_cast %get3A_449 : vector<1x16xi32> to vector<16xi32>
      %dma_start3A_451 = arith.constant 4 : i32
      %dma_start3A_452 = arith.constant 0 : i32
      %dma_start3A_453 = tpu.memref_slice %arg8[%dma_start3A_451, %dma_start3A_452] : memref<16x16xf32, #tpu.memory_space<vmem>> -> memref<1x16xf32, #tpu.memory_space<vmem>>
      %dma_start3A_454 = tpu.memref_squeeze %dma_start3A_453 : memref<1x16xf32, #tpu.memory_space<vmem>> -> memref<16xf32, #tpu.memory_space<vmem>>
      %dma_start3A_455 = arith.constant 0 : i32
      %dma_start3A_456 = tpu.memref_slice %arg4[%dma_start3A_455] : memref<250000xf32, #tpu.memory_space<hbm>> -> memref<250000xf32, #tpu.memory_space<hbm>>
      tpu.enqueue_indirect_dma source(%dma_start3A_456 : memref<250000xf32, #tpu.memory_space<hbm>>) target(%dma_start3A_454 : memref<16xf32, #tpu.memory_space<vmem>>) offsets(%get3A_450 : vector<16xi32>) semaphore(%arg10 : memref<!tpu.dma_semaphore, #tpu.memory_space<semaphore_mem>>)
      %get3A_457 = arith.constant 5 : i32
      %get3A_458 = arith.index_cast %get3A_457 : i32 to index
      %get3A_459 = arith.constant 0 : index
      %get3A_460 = tpu.vector_load %arg7[%get3A_458, %get3A_459] {strides = array<i32>} : memref<16x16xi32, #tpu.memory_space<vmem>>, vector<1x16xi32>,
      %get3A_461 = vector.shape_cast %get3A_460 : vector<1x16xi32> to vector<16xi32>
      %dma_start3A_462 = arith.constant 5 : i32
      %dma_start3A_463 = arith.constant 0 : i32
      %dma_start3A_464 = tpu.memref_slice %arg8[%dma_start3A_462, %dma_start3A_463] : memref<16x16xf32, #tpu.memory_space<vmem>> -> memref<1x16xf32, #tpu.memory_space<vmem>>
      %dma_start3A_465 = tpu.memref_squeeze %dma_start3A_464 : memref<1x16xf32, #tpu.memory_space<vmem>> -> memref<16xf32, #tpu.memory_space<vmem>>
      %dma_start3A_466 = arith.constant 0 : i32
      %dma_start3A_467 = tpu.memref_slice %arg4[%dma_start3A_466] : memref<250000xf32, #tpu.memory_space<hbm>> -> memref<250000xf32, #tpu.memory_space<hbm>>
      tpu.enqueue_indirect_dma source(%dma_start3A_467 : memref<250000xf32, #tpu.memory_space<hbm>>) target(%dma_start3A_465 : memref<16xf32, #tpu.memory_space<vmem>>) offsets(%get3A_461 : vector<16xi32>) semaphore(%arg10 : memref<!tpu.dma_semaphore, #tpu.memory_space<semaphore_mem>>)
      %get3A_468 = arith.constant 6 : i32
      %get3A_469 = arith.index_cast %get3A_468 : i32 to index
      %get3A_470 = arith.constant 0 : index
      %get3A_471 = tpu.vector_load %arg7[%get3A_469, %get3A_470] {strides = array<i32>} : memref<16x16xi32, #tpu.memory_space<vmem>>, vector<1x16xi32>,
      %get3A_472 = vector.shape_cast %get3A_471 : vector<1x16xi32> to vector<16xi32>
      %dma_start3A_473 = arith.constant 6 : i32
      %dma_start3A_474 = arith.constant 0 : i32
      %dma_start3A_475 = tpu.memref_slice %arg8[%dma_start3A_473, %dma_start3A_474] : memref<16x16xf32, #tpu.memory_space<vmem>> -> memref<1x16xf32, #tpu.memory_space<vmem>>
      %dma_start3A_476 = tpu.memref_squeeze %dma_start3A_475 : memref<1x16xf32, #tpu.memory_space<vmem>> -> memref<16xf32, #tpu.memory_space<vmem>>
      %dma_start3A_477 = arith.constant 0 : i32
      %dma_start3A_478 = tpu.memref_slice %arg4[%dma_start3A_477] : memref<250000xf32, #tpu.memory_space<hbm>> -> memref<250000xf32, #tpu.memory_space<hbm>>
      tpu.enqueue_indirect_dma source(%dma_start3A_478 : memref<250000xf32, #tpu.memory_space<hbm>>) target(%dma_start3A_476 : memref<16xf32, #tpu.memory_space<vmem>>) offsets(%get3A_472 : vector<16xi32>) semaphore(%arg10 : memref<!tpu.dma_semaphore, #tpu.memory_space<semaphore_mem>>)
      %get3A_479 = arith.constant 7 : i32
      %get3A_480 = arith.index_cast %get3A_479 : i32 to index
      %get3A_481 = arith.constant 0 : index
      %get3A_482 = tpu.vector_load %arg7[%get3A_480, %get3A_481] {strides = array<i32>} : memref<16x16xi32, #tpu.memory_space<vmem>>, vector<1x16xi32>,
      %get3A_483 = vector.shape_cast %get3A_482 : vector<1x16xi32> to vector<16xi32>
      %dma_start3A_484 = arith.constant 7 : i32
      %dma_start3A_485 = arith.constant 0 : i32
      %dma_start3A_486 = tpu.memref_slice %arg8[%dma_start3A_484, %dma_start3A_485] : memref<16x16xf32, #tpu.memory_space<vmem>> -> memref<1x16xf32, #tpu.memory_space<vmem>>
      %dma_start3A_487 = tpu.memref_squeeze %dma_start3A_486 : memref<1x16xf32, #tpu.memory_space<vmem>> -> memref<16xf32, #tpu.memory_space<vmem>>
      %dma_start3A_488 = arith.constant 0 : i32
      %dma_start3A_489 = tpu.memref_slice %arg4[%dma_start3A_488] : memref<250000xf32, #tpu.memory_space<hbm>> -> memref<250000xf32, #tpu.memory_space<hbm>>
      tpu.enqueue_indirect_dma source(%dma_start3A_489 : memref<250000xf32, #tpu.memory_space<hbm>>) target(%dma_start3A_487 : memref<16xf32, #tpu.memory_space<vmem>>) offsets(%get3A_483 : vector<16xi32>) semaphore(%arg10 : memref<!tpu.dma_semaphore, #tpu.memory_space<semaphore_mem>>)
      %get3A_490 = arith.constant 8 : i32
      %get3A_491 = arith.index_cast %get3A_490 : i32 to index
      %get3A_492 = arith.constant 0 : index
      %get3A_493 = tpu.vector_load %arg7[%get3A_491, %get3A_492] {strides = array<i32>} : memref<16x16xi32, #tpu.memory_space<vmem>>, vector<1x16xi32>,
      %get3A_494 = vector.shape_cast %get3A_493 : vector<1x16xi32> to vector<16xi32>
      %dma_start3A_495 = arith.constant 8 : i32
      %dma_start3A_496 = arith.constant 0 : i32
      %dma_start3A_497 = tpu.memref_slice %arg8[%dma_start3A_495, %dma_start3A_496] : memref<16x16xf32, #tpu.memory_space<vmem>> -> memref<1x16xf32, #tpu.memory_space<vmem>>
      %dma_start3A_498 = tpu.memref_squeeze %dma_start3A_497 : memref<1x16xf32, #tpu.memory_space<vmem>> -> memref<16xf32, #tpu.memory_space<vmem>>
      %dma_start3A_499 = arith.constant 0 : i32
      %dma_start3A_500 = tpu.memref_slice %arg4[%dma_start3A_499] : memref<250000xf32, #tpu.memory_space<hbm>> -> memref<250000xf32, #tpu.memory_space<hbm>>
      tpu.enqueue_indirect_dma source(%dma_start3A_500 : memref<250000xf32, #tpu.memory_space<hbm>>) target(%dma_start3A_498 : memref<16xf32, #tpu.memory_space<vmem>>) offsets(%get3A_494 : vector<16xi32>) semaphore(%arg10 : memref<!tpu.dma_semaphore, #tpu.memory_space<semaphore_mem>>)
      %get3A_501 = arith.constant 9 : i32
      %get3A_502 = arith.index_cast %get3A_501 : i32 to index
      %get3A_503 = arith.constant 0 : index
      %get3A_504 = tpu.vector_load %arg7[%get3A_502, %get3A_503] {strides = array<i32>} : memref<16x16xi32, #tpu.memory_space<vmem>>, vector<1x16xi32>,
      %get3A_505 = vector.shape_cast %get3A_504 : vector<1x16xi32> to vector<16xi32>
      %dma_start3A_506 = arith.constant 9 : i32
      %dma_start3A_507 = arith.constant 0 : i32
      %dma_start3A_508 = tpu.memref_slice %arg8[%dma_start3A_506, %dma_start3A_507] : memref<16x16xf32, #tpu.memory_space<vmem>> -> memref<1x16xf32, #tpu.memory_space<vmem>>
      %dma_start3A_509 = tpu.memref_squeeze %dma_start3A_508 : memref<1x16xf32, #tpu.memory_space<vmem>> -> memref<16xf32, #tpu.memory_space<vmem>>
      %dma_start3A_510 = arith.constant 0 : i32
      %dma_start3A_511 = tpu.memref_slice %arg4[%dma_start3A_510] : memref<250000xf32, #tpu.memory_space<hbm>> -> memref<250000xf32, #tpu.memory_space<hbm>>
      tpu.enqueue_indirect_dma source(%dma_start3A_511 : memref<250000xf32, #tpu.memory_space<hbm>>) target(%dma_start3A_509 : memref<16xf32, #tpu.memory_space<vmem>>) offsets(%get3A_505 : vector<16xi32>) semaphore(%arg10 : memref<!tpu.dma_semaphore, #tpu.memory_space<semaphore_mem>>)
      %dma_wait3A_512 = arith.constant 0 : i32
      %dma_wait3A_513 = arith.constant 0 : i32
      %dma_wait3A_514 = tpu.memref_slice %arg8[%dma_wait3A_512, %dma_wait3A_513] : memref<16x16xf32, #tpu.memory_space<vmem>> -> memref<1x16xf32, #tpu.memory_space<vmem>>
      %dma_wait3A_515 = tpu.memref_squeeze %dma_wait3A_514 : memref<1x16xf32, #tpu.memory_space<vmem>> -> memref<16xf32, #tpu.memory_space<vmem>>
      %dma_wait3A_516 = arith.constant 0 : i32
      %dma_wait3A_517 = tpu.memref_slice %arg4[%dma_wait3A_516] : memref<250000xf32, #tpu.memory_space<hbm>> -> memref<250000xf32, #tpu.memory_space<hbm>>
      tpu.wait_indirect_dma semaphore(%arg10 : memref<!tpu.dma_semaphore, #tpu.memory_space<semaphore_mem>>) src(%dma_wait3A_517 : memref<250000xf32, #tpu.memory_space<hbm>>) dst(%dma_wait3A_515 : memref<16xf32, #tpu.memory_space<vmem>>)
      %dma_wait3A_518 = arith.constant 1 : i32
      %dma_wait3A_519 = arith.constant 0 : i32
      %dma_wait3A_520 = tpu.memref_slice %arg8[%dma_wait3A_518, %dma_wait3A_519] : memref<16x16xf32, #tpu.memory_space<vmem>> -> memref<1x16xf32, #tpu.memory_space<vmem>>
      %dma_wait3A_521 = tpu.memref_squeeze %dma_wait3A_520 : memref<1x16xf32, #tpu.memory_space<vmem>> -> memref<16xf32, #tpu.memory_space<vmem>>
      %dma_wait3A_522 = arith.constant 0 : i32
      %dma_wait3A_523 = tpu.memref_slice %arg4[%dma_wait3A_522] : memref<250000xf32, #tpu.memory_space<hbm>> -> memref<250000xf32, #tpu.memory_space<hbm>>
      tpu.wait_indirect_dma semaphore(%arg10 : memref<!tpu.dma_semaphore, #tpu.memory_space<semaphore_mem>>) src(%dma_wait3A_523 : memref<250000xf32, #tpu.memory_space<hbm>>) dst(%dma_wait3A_521 : memref<16xf32, #tpu.memory_space<vmem>>)
      %dma_wait3A_524 = arith.constant 2 : i32
      %dma_wait3A_525 = arith.constant 0 : i32
      %dma_wait3A_526 = tpu.memref_slice %arg8[%dma_wait3A_524, %dma_wait3A_525] : memref<16x16xf32, #tpu.memory_space<vmem>> -> memref<1x16xf32, #tpu.memory_space<vmem>>
      %dma_wait3A_527 = tpu.memref_squeeze %dma_wait3A_526 : memref<1x16xf32, #tpu.memory_space<vmem>> -> memref<16xf32, #tpu.memory_space<vmem>>
      %dma_wait3A_528 = arith.constant 0 : i32
      %dma_wait3A_529 = tpu.memref_slice %arg4[%dma_wait3A_528] : memref<250000xf32, #tpu.memory_space<hbm>> -> memref<250000xf32, #tpu.memory_space<hbm>>
      tpu.wait_indirect_dma semaphore(%arg10 : memref<!tpu.dma_semaphore, #tpu.memory_space<semaphore_mem>>) src(%dma_wait3A_529 : memref<250000xf32, #tpu.memory_space<hbm>>) dst(%dma_wait3A_527 : memref<16xf32, #tpu.memory_space<vmem>>)
      %dma_wait3A_530 = arith.constant 3 : i32
      %dma_wait3A_531 = arith.constant 0 : i32
      %dma_wait3A_532 = tpu.memref_slice %arg8[%dma_wait3A_530, %dma_wait3A_531] : memref<16x16xf32, #tpu.memory_space<vmem>> -> memref<1x16xf32, #tpu.memory_space<vmem>>
      %dma_wait3A_533 = tpu.memref_squeeze %dma_wait3A_532 : memref<1x16xf32, #tpu.memory_space<vmem>> -> memref<16xf32, #tpu.memory_space<vmem>>
      %dma_wait3A_534 = arith.constant 0 : i32
      %dma_wait3A_535 = tpu.memref_slice %arg4[%dma_wait3A_534] : memref<250000xf32, #tpu.memory_space<hbm>> -> memref<250000xf32, #tpu.memory_space<hbm>>
      tpu.wait_indirect_dma semaphore(%arg10 : memref<!tpu.dma_semaphore, #tpu.memory_space<semaphore_mem>>) src(%dma_wait3A_535 : memref<250000xf32, #tpu.memory_space<hbm>>) dst(%dma_wait3A_533 : memref<16xf32, #tpu.memory_space<vmem>>)
      %dma_wait3A_536 = arith.constant 4 : i32
      %dma_wait3A_537 = arith.constant 0 : i32
      %dma_wait3A_538 = tpu.memref_slice %arg8[%dma_wait3A_536, %dma_wait3A_537] : memref<16x16xf32, #tpu.memory_space<vmem>> -> memref<1x16xf32, #tpu.memory_space<vmem>>
      %dma_wait3A_539 = tpu.memref_squeeze %dma_wait3A_538 : memref<1x16xf32, #tpu.memory_space<vmem>> -> memref<16xf32, #tpu.memory_space<vmem>>
      %dma_wait3A_540 = arith.constant 0 : i32
      %dma_wait3A_541 = tpu.memref_slice %arg4[%dma_wait3A_540] : memref<250000xf32, #tpu.memory_space<hbm>> -> memref<250000xf32, #tpu.memory_space<hbm>>
      tpu.wait_indirect_dma semaphore(%arg10 : memref<!tpu.dma_semaphore, #tpu.memory_space<semaphore_mem>>) src(%dma_wait3A_541 : memref<250000xf32, #tpu.memory_space<hbm>>) dst(%dma_wait3A_539 : memref<16xf32, #tpu.memory_space<vmem>>)
      %dma_wait3A_542 = arith.constant 5 : i32
      %dma_wait3A_543 = arith.constant 0 : i32
      %dma_wait3A_544 = tpu.memref_slice %arg8[%dma_wait3A_542, %dma_wait3A_543] : memref<16x16xf32, #tpu.memory_space<vmem>> -> memref<1x16xf32, #tpu.memory_space<vmem>>
      %dma_wait3A_545 = tpu.memref_squeeze %dma_wait3A_544 : memref<1x16xf32, #tpu.memory_space<vmem>> -> memref<16xf32, #tpu.memory_space<vmem>>
      %dma_wait3A_546 = arith.constant 0 : i32
      %dma_wait3A_547 = tpu.memref_slice %arg4[%dma_wait3A_546] : memref<250000xf32, #tpu.memory_space<hbm>> -> memref<250000xf32, #tpu.memory_space<hbm>>
      tpu.wait_indirect_dma semaphore(%arg10 : memref<!tpu.dma_semaphore, #tpu.memory_space<semaphore_mem>>) src(%dma_wait3A_547 : memref<250000xf32, #tpu.memory_space<hbm>>) dst(%dma_wait3A_545 : memref<16xf32, #tpu.memory_space<vmem>>)
      %dma_wait3A_548 = arith.constant 6 : i32
      %dma_wait3A_549 = arith.constant 0 : i32
      %dma_wait3A_550 = tpu.memref_slice %arg8[%dma_wait3A_548, %dma_wait3A_549] : memref<16x16xf32, #tpu.memory_space<vmem>> -> memref<1x16xf32, #tpu.memory_space<vmem>>
      %dma_wait3A_551 = tpu.memref_squeeze %dma_wait3A_550 : memref<1x16xf32, #tpu.memory_space<vmem>> -> memref<16xf32, #tpu.memory_space<vmem>>
      %dma_wait3A_552 = arith.constant 0 : i32
      %dma_wait3A_553 = tpu.memref_slice %arg4[%dma_wait3A_552] : memref<250000xf32, #tpu.memory_space<hbm>> -> memref<250000xf32, #tpu.memory_space<hbm>>
      tpu.wait_indirect_dma semaphore(%arg10 : memref<!tpu.dma_semaphore, #tpu.memory_space<semaphore_mem>>) src(%dma_wait3A_553 : memref<250000xf32, #tpu.memory_space<hbm>>) dst(%dma_wait3A_551 : memref<16xf32, #tpu.memory_space<vmem>>)
      %dma_wait3A_554 = arith.constant 7 : i32
      %dma_wait3A_555 = arith.constant 0 : i32
      %dma_wait3A_556 = tpu.memref_slice %arg8[%dma_wait3A_554, %dma_wait3A_555] : memref<16x16xf32, #tpu.memory_space<vmem>> -> memref<1x16xf32, #tpu.memory_space<vmem>>
      %dma_wait3A_557 = tpu.memref_squeeze %dma_wait3A_556 : memref<1x16xf32, #tpu.memory_space<vmem>> -> memref<16xf32, #tpu.memory_space<vmem>>
      %dma_wait3A_558 = arith.constant 0 : i32
      %dma_wait3A_559 = tpu.memref_slice %arg4[%dma_wait3A_558] : memref<250000xf32, #tpu.memory_space<hbm>> -> memref<250000xf32, #tpu.memory_space<hbm>>
      tpu.wait_indirect_dma semaphore(%arg10 : memref<!tpu.dma_semaphore, #tpu.memory_space<semaphore_mem>>) src(%dma_wait3A_559 : memref<250000xf32, #tpu.memory_space<hbm>>) dst(%dma_wait3A_557 : memref<16xf32, #tpu.memory_space<vmem>>)
      %dma_wait3A_560 = arith.constant 8 : i32
      %dma_wait3A_561 = arith.constant 0 : i32
      %dma_wait3A_562 = tpu.memref_slice %arg8[%dma_wait3A_560, %dma_wait3A_561] : memref<16x16xf32, #tpu.memory_space<vmem>> -> memref<1x16xf32, #tpu.memory_space<vmem>>
      %dma_wait3A_563 = tpu.memref_squeeze %dma_wait3A_562 : memref<1x16xf32, #tpu.memory_space<vmem>> -> memref<16xf32, #tpu.memory_space<vmem>>
      %dma_wait3A_564 = arith.constant 0 : i32
      %dma_wait3A_565 = tpu.memref_slice %arg4[%dma_wait3A_564] : memref<250000xf32, #tpu.memory_space<hbm>> -> memref<250000xf32, #tpu.memory_space<hbm>>
      tpu.wait_indirect_dma semaphore(%arg10 : memref<!tpu.dma_semaphore, #tpu.memory_space<semaphore_mem>>) src(%dma_wait3A_565 : memref<250000xf32, #tpu.memory_space<hbm>>) dst(%dma_wait3A_563 : memref<16xf32, #tpu.memory_space<vmem>>)
      %dma_wait3A_566 = arith.constant 9 : i32
      %dma_wait3A_567 = arith.constant 0 : i32
      %dma_wait3A_568 = tpu.memref_slice %arg8[%dma_wait3A_566, %dma_wait3A_567] : memref<16x16xf32, #tpu.memory_space<vmem>> -> memref<1x16xf32, #tpu.memory_space<vmem>>
      %dma_wait3A_569 = tpu.memref_squeeze %dma_wait3A_568 : memref<1x16xf32, #tpu.memory_space<vmem>> -> memref<16xf32, #tpu.memory_space<vmem>>
      %dma_wait3A_570 = arith.constant 0 : i32
      %dma_wait3A_571 = tpu.memref_slice %arg4[%dma_wait3A_570] : memref<250000xf32, #tpu.memory_space<hbm>> -> memref<250000xf32, #tpu.memory_space<hbm>>
      tpu.wait_indirect_dma semaphore(%arg10 : memref<!tpu.dma_semaphore, #tpu.memory_space<semaphore_mem>>) src(%dma_wait3A_571 : memref<250000xf32, #tpu.memory_space<hbm>>) dst(%dma_wait3A_569 : memref<16xf32, #tpu.memory_space<vmem>>)
      %get3A_572 = arith.constant 0 : i32
      %get3A_573 = arith.index_cast %get3A_572 : i32 to index
      %get3A_574 = arith.constant 0 : index
      %get3A_575 = tpu.vector_load %arg6[%get3A_573, %get3A_574] {strides = array<i32>} : memref<16x16xf32, #tpu.memory_space<vmem>>, vector<1x16xf32>,
      %get3A_576 = vector.shape_cast %get3A_575 : vector<1x16xf32> to vector<16xf32>
      %get3A_577 = arith.constant 1 : i32
      %get3A_578 = arith.index_cast %get3A_577 : i32 to index
      %get3A_579 = arith.constant 0 : index
      %get3A_580 = tpu.vector_load %arg6[%get3A_578, %get3A_579] {strides = array<i32>} : memref<16x16xf32, #tpu.memory_space<vmem>>, vector<1x16xf32>,
      %get3A_581 = vector.shape_cast %get3A_580 : vector<1x16xf32> to vector<16xf32>
      %get3A_582 = arith.constant 2 : i32
      %get3A_583 = arith.index_cast %get3A_582 : i32 to index
      %get3A_584 = arith.constant 0 : index
      %get3A_585 = tpu.vector_load %arg6[%get3A_583, %get3A_584] {strides = array<i32>} : memref<16x16xf32, #tpu.memory_space<vmem>>, vector<1x16xf32>,
      %get3A_586 = vector.shape_cast %get3A_585 : vector<1x16xf32> to vector<16xf32>
      %get3A_587 = arith.constant 3 : i32
      %get3A_588 = arith.index_cast %get3A_587 : i32 to index
      %get3A_589 = arith.constant 0 : index
      %get3A_590 = tpu.vector_load %arg6[%get3A_588, %get3A_589] {strides = array<i32>} : memref<16x16xf32, #tpu.memory_space<vmem>>, vector<1x16xf32>,
      %get3A_591 = vector.shape_cast %get3A_590 : vector<1x16xf32> to vector<16xf32>
      %get3A_592 = arith.constant 4 : i32
      %get3A_593 = arith.index_cast %get3A_592 : i32 to index
      %get3A_594 = arith.constant 0 : index
      %get3A_595 = tpu.vector_load %arg6[%get3A_593, %get3A_594] {strides = array<i32>} : memref<16x16xf32, #tpu.memory_space<vmem>>, vector<1x16xf32>,
      %get3A_596 = vector.shape_cast %get3A_595 : vector<1x16xf32> to vector<16xf32>
      %get3A_597 = arith.constant 5 : i32
      %get3A_598 = arith.index_cast %get3A_597 : i32 to index
      %get3A_599 = arith.constant 0 : index
      %get3A_600 = tpu.vector_load %arg6[%get3A_598, %get3A_599] {strides = array<i32>} : memref<16x16xf32, #tpu.memory_space<vmem>>, vector<1x16xf32>,
      %get3A_601 = vector.shape_cast %get3A_600 : vector<1x16xf32> to vector<16xf32>
      %get3A_602 = arith.constant 6 : i32
      %get3A_603 = arith.index_cast %get3A_602 : i32 to index
      %get3A_604 = arith.constant 0 : index
      %get3A_605 = tpu.vector_load %arg6[%get3A_603, %get3A_604] {strides = array<i32>} : memref<16x16xf32, #tpu.memory_space<vmem>>, vector<1x16xf32>,
      %get3A_606 = vector.shape_cast %get3A_605 : vector<1x16xf32> to vector<16xf32>
      %get3A_607 = arith.constant 7 : i32
      %get3A_608 = arith.index_cast %get3A_607 : i32 to index
      %get3A_609 = arith.constant 0 : index
      %get3A_610 = tpu.vector_load %arg6[%get3A_608, %get3A_609] {strides = array<i32>} : memref<16x16xf32, #tpu.memory_space<vmem>>, vector<1x16xf32>,
      %get3A_611 = vector.shape_cast %get3A_610 : vector<1x16xf32> to vector<16xf32>
      %get3A_612 = arith.constant 8 : i32
      %get3A_613 = arith.index_cast %get3A_612 : i32 to index
      %get3A_614 = arith.constant 0 : index
      %get3A_615 = tpu.vector_load %arg6[%get3A_613, %get3A_614] {strides = array<i32>} : memref<16x16xf32, #tpu.memory_space<vmem>>, vector<1x16xf32>,
      %get3A_616 = vector.shape_cast %get3A_615 : vector<1x16xf32> to vector<16xf32>
      %get3A_617 = arith.constant 9 : i32
      %get3A_618 = arith.index_cast %get3A_617 : i32 to index
      %get3A_619 = arith.constant 0 : index
      %get3A_620 = tpu.vector_load %arg6[%get3A_618, %get3A_619] {strides = array<i32>} : memref<16x16xf32, #tpu.memory_space<vmem>>, vector<1x16xf32>,
      %get3A_621 = vector.shape_cast %get3A_620 : vector<1x16xf32> to vector<16xf32>
      %max3A = arith.maximumf %get3A_576, %get3A_581 : vector<16xf32>
      %max3A_622 = arith.maximumf %max3A, %get3A_586 : vector<16xf32>
      %max3A_623 = arith.maximumf %max3A_622, %get3A_591 : vector<16xf32>
      %max3A_624 = arith.maximumf %max3A_623, %get3A_596 : vector<16xf32>
      %max3A_625 = arith.maximumf %max3A_624, %get3A_601 : vector<16xf32>
      %max3A_626 = arith.maximumf %max3A_625, %get3A_606 : vector<16xf32>
      %max3A_627 = arith.maximumf %max3A_626, %get3A_611 : vector<16xf32>
      %max3A_628 = arith.maximumf %max3A_627, %get3A_616 : vector<16xf32>
      %max3A_629 = arith.maximumf %max3A_628, %get3A_621 : vector<16xf32>
      %broadcast_in_dim3A = arith.constant 0.000000e+00 : f32
      %broadcast_in_dim3A_630 = vector.broadcast %broadcast_in_dim3A : f32 to vector<16xf32>
      %broadcast_in_dim3A_631 = arith.constant 0.000000e+00 : f32
      %broadcast_in_dim3A_632 = vector.broadcast %broadcast_in_dim3A_631 : f32 to vector<16xf32>
      %sub3A = arith.subf %get3A_576, %max3A_629 : vector<16xf32>
      %exp3A = math.exp %sub3A : vector<16xf32>
      %get3A_633 = arith.constant 0 : i32
      %get3A_634 = arith.index_cast %get3A_633 : i32 to index
      %get3A_635 = arith.constant 0 : index
      %get3A_636 = tpu.vector_load %arg8[%get3A_634, %get3A_635] {strides = array<i32>} : memref<16x16xf32, #tpu.memory_space<vmem>>, vector<1x16xf32>,
      %get3A_637 = vector.shape_cast %get3A_636 : vector<1x16xf32> to vector<16xf32>
      %mul3A_638 = arith.mulf %exp3A, %get3A_637 : vector<16xf32>
      %add3A_639 = arith.addf %broadcast_in_dim3A_630, %mul3A_638 : vector<16xf32>
      %add3A_640 = arith.addf %broadcast_in_dim3A_632, %exp3A : vector<16xf32>
      %sub3A_641 = arith.subf %get3A_581, %max3A_629 : vector<16xf32>
      %exp3A_642 = math.exp %sub3A_641 : vector<16xf32>
      %get3A_643 = arith.constant 1 : i32
      %get3A_644 = arith.index_cast %get3A_643 : i32 to index
      %get3A_645 = arith.constant 0 : index
      %get3A_646 = tpu.vector_load %arg8[%get3A_644, %get3A_645] {strides = array<i32>} : memref<16x16xf32, #tpu.memory_space<vmem>>, vector<1x16xf32>,
      %get3A_647 = vector.shape_cast %get3A_646 : vector<1x16xf32> to vector<16xf32>
      %mul3A_648 = arith.mulf %exp3A_642, %get3A_647 : vector<16xf32>
      %add3A_649 = arith.addf %add3A_639, %mul3A_648 : vector<16xf32>
      %add3A_650 = arith.addf %add3A_640, %exp3A_642 : vector<16xf32>
      %sub3A_651 = arith.subf %get3A_586, %max3A_629 : vector<16xf32>
      %exp3A_652 = math.exp %sub3A_651 : vector<16xf32>
      %get3A_653 = arith.constant 2 : i32
      %get3A_654 = arith.index_cast %get3A_653 : i32 to index
      %get3A_655 = arith.constant 0 : index
      %get3A_656 = tpu.vector_load %arg8[%get3A_654, %get3A_655] {strides = array<i32>} : memref<16x16xf32, #tpu.memory_space<vmem>>, vector<1x16xf32>,
      %get3A_657 = vector.shape_cast %get3A_656 : vector<1x16xf32> to vector<16xf32>
      %mul3A_658 = arith.mulf %exp3A_652, %get3A_657 : vector<16xf32>
      %add3A_659 = arith.addf %add3A_649, %mul3A_658 : vector<16xf32>
      %add3A_660 = arith.addf %add3A_650, %exp3A_652 : vector<16xf32>
      %sub3A_661 = arith.subf %get3A_591, %max3A_629 : vector<16xf32>
      %exp3A_662 = math.exp %sub3A_661 : vector<16xf32>
      %get3A_663 = arith.constant 3 : i32
      %get3A_664 = arith.index_cast %get3A_663 : i32 to index
      %get3A_665 = arith.constant 0 : index
      %get3A_666 = tpu.vector_load %arg8[%get3A_664, %get3A_665] {strides = array<i32>} : memref<16x16xf32, #tpu.memory_space<vmem>>, vector<1x16xf32>,
      %get3A_667 = vector.shape_cast %get3A_666 : vector<1x16xf32> to vector<16xf32>
      %mul3A_668 = arith.mulf %exp3A_662, %get3A_667 : vector<16xf32>
      %add3A_669 = arith.addf %add3A_659, %mul3A_668 : vector<16xf32>
      %add3A_670 = arith.addf %add3A_660, %exp3A_662 : vector<16xf32>
      %sub3A_671 = arith.subf %get3A_596, %max3A_629 : vector<16xf32>
      %exp3A_672 = math.exp %sub3A_671 : vector<16xf32>
      %get3A_673 = arith.constant 4 : i32
      %get3A_674 = arith.index_cast %get3A_673 : i32 to index
      %get3A_675 = arith.constant 0 : index
      %get3A_676 = tpu.vector_load %arg8[%get3A_674, %get3A_675] {strides = array<i32>} : memref<16x16xf32, #tpu.memory_space<vmem>>, vector<1x16xf32>,
      %get3A_677 = vector.shape_cast %get3A_676 : vector<1x16xf32> to vector<16xf32>
      %mul3A_678 = arith.mulf %exp3A_672, %get3A_677 : vector<16xf32>
      %add3A_679 = arith.addf %add3A_669, %mul3A_678 : vector<16xf32>
      %add3A_680 = arith.addf %add3A_670, %exp3A_672 : vector<16xf32>
      %sub3A_681 = arith.subf %get3A_601, %max3A_629 : vector<16xf32>
      %exp3A_682 = math.exp %sub3A_681 : vector<16xf32>
      %get3A_683 = arith.constant 5 : i32
      %get3A_684 = arith.index_cast %get3A_683 : i32 to index
      %get3A_685 = arith.constant 0 : index
      %get3A_686 = tpu.vector_load %arg8[%get3A_684, %get3A_685] {strides = array<i32>} : memref<16x16xf32, #tpu.memory_space<vmem>>, vector<1x16xf32>,
      %get3A_687 = vector.shape_cast %get3A_686 : vector<1x16xf32> to vector<16xf32>
      %mul3A_688 = arith.mulf %exp3A_682, %get3A_687 : vector<16xf32>
      %add3A_689 = arith.addf %add3A_679, %mul3A_688 : vector<16xf32>
      %add3A_690 = arith.addf %add3A_680, %exp3A_682 : vector<16xf32>
      %sub3A_691 = arith.subf %get3A_606, %max3A_629 : vector<16xf32>
      %exp3A_692 = math.exp %sub3A_691 : vector<16xf32>
      %get3A_693 = arith.constant 6 : i32
      %get3A_694 = arith.index_cast %get3A_693 : i32 to index
      %get3A_695 = arith.constant 0 : index
      %get3A_696 = tpu.vector_load %arg8[%get3A_694, %get3A_695] {strides = array<i32>} : memref<16x16xf32, #tpu.memory_space<vmem>>, vector<1x16xf32>,
      %get3A_697 = vector.shape_cast %get3A_696 : vector<1x16xf32> to vector<16xf32>
      %mul3A_698 = arith.mulf %exp3A_692, %get3A_697 : vector<16xf32>
      %add3A_699 = arith.addf %add3A_689, %mul3A_698 : vector<16xf32>
      %add3A_700 = arith.addf %add3A_690, %exp3A_692 : vector<16xf32>
      %sub3A_701 = arith.subf %get3A_611, %max3A_629 : vector<16xf32>
      %exp3A_702 = math.exp %sub3A_701 : vector<16xf32>
      %get3A_703 = arith.constant 7 : i32
      %get3A_704 = arith.index_cast %get3A_703 : i32 to index
      %get3A_705 = arith.constant 0 : index
      %get3A_706 = tpu.vector_load %arg8[%get3A_704, %get3A_705] {strides = array<i32>} : memref<16x16xf32, #tpu.memory_space<vmem>>, vector<1x16xf32>,
      %get3A_707 = vector.shape_cast %get3A_706 : vector<1x16xf32> to vector<16xf32>
      %mul3A_708 = arith.mulf %exp3A_702, %get3A_707 : vector<16xf32>
      %add3A_709 = arith.addf %add3A_699, %mul3A_708 : vector<16xf32>
      %add3A_710 = arith.addf %add3A_700, %exp3A_702 : vector<16xf32>
      %sub3A_711 = arith.subf %get3A_616, %max3A_629 : vector<16xf32>
      %exp3A_712 = math.exp %sub3A_711 : vector<16xf32>
      %get3A_713 = arith.constant 8 : i32
      %get3A_714 = arith.index_cast %get3A_713 : i32 to index
      %get3A_715 = arith.constant 0 : index
      %get3A_716 = tpu.vector_load %arg8[%get3A_714, %get3A_715] {strides = array<i32>} : memref<16x16xf32, #tpu.memory_space<vmem>>, vector<1x16xf32>,
      %get3A_717 = vector.shape_cast %get3A_716 : vector<1x16xf32> to vector<16xf32>
      %mul3A_718 = arith.mulf %exp3A_712, %get3A_717 : vector<16xf32>
      %add3A_719 = arith.addf %add3A_709, %mul3A_718 : vector<16xf32>
      %add3A_720 = arith.addf %add3A_710, %exp3A_712 : vector<16xf32>
      %sub3A_721 = arith.subf %get3A_621, %max3A_629 : vector<16xf32>
      %exp3A_722 = math.exp %sub3A_721 : vector<16xf32>
      %get3A_723 = arith.constant 9 : i32
      %get3A_724 = arith.index_cast %get3A_723 : i32 to index
      %get3A_725 = arith.constant 0 : index
      %get3A_726 = tpu.vector_load %arg8[%get3A_724, %get3A_725] {strides = array<i32>} : memref<16x16xf32, #tpu.memory_space<vmem>>, vector<1x16xf32>,
      %get3A_727 = vector.shape_cast %get3A_726 : vector<1x16xf32> to vector<16xf32>
      %mul3A_728 = arith.mulf %exp3A_722, %get3A_727 : vector<16xf32>
      %add3A_729 = arith.addf %add3A_719, %mul3A_728 : vector<16xf32>
      %add3A_730 = arith.addf %add3A_720, %exp3A_722 : vector<16xf32>
      %div3A = arith.divf %add3A_729, %add3A_730 : vector<16xf32>
      %swap3A = arith.constant 0 : index
      %swap3A_731 = tpu.vector_load %arg9[%swap3A] {strides = array<i32>} : memref<16xf32, #tpu.memory_space<vmem>>, vector<16xf32>,
      %swap3A_732 = vector.shape_cast %swap3A_731 : vector<16xf32> to vector<16xf32>
      %swap3A_733 = vector.shape_cast %div3A : vector<16xf32> to vector<16xf32>
      tpu.vector_store %arg9[%swap3A], %swap3A_733 {strides = array<i32>} : memref<16xf32, #tpu.memory_space<vmem>>, vector<16xf32>,
      "tpu.region"() ({
        %run_scoped3A = tpu.sem_alloc : memref<!tpu.dma_semaphore, #tpu.memory_space<semaphore_mem>>
        %dma_start3A_734 = tpu.memref_slice %arg5[%mul3A_4] : memref<256xf32, #tpu.memory_space<hbm>> -> memref<16xf32, #tpu.memory_space<hbm>>
        %dma_start3A_735 = tpu.memref_slice %arg5[%mul3A_4] : memref<256xf32, #tpu.memory_space<hbm>> -> memref<16xf32, #tpu.memory_space<hbm>>
        tpu.enqueue_dma source(%arg9 : memref<16xf32, #tpu.memory_space<vmem>>) target(%dma_start3A_735 : memref<16xf32, #tpu.memory_space<hbm>>) target_semaphore(%run_scoped3A : memref<!tpu.dma_semaphore, #tpu.memory_space<semaphore_mem>>)
        %dma_wait3A_736 = tpu.memref_slice %arg5[%mul3A_4] : memref<256xf32, #tpu.memory_space<hbm>> -> memref<16xf32, #tpu.memory_space<hbm>>
        %dma_wait3A_737 = tpu.memref_slice %arg5[%mul3A_4] : memref<256xf32, #tpu.memory_space<hbm>> -> memref<16xf32, #tpu.memory_space<hbm>>
        tpu.wait_dma2 semaphore(%run_scoped3A : memref<!tpu.dma_semaphore, #tpu.memory_space<semaphore_mem>>) src(%arg9 : memref<16xf32, #tpu.memory_space<vmem>>) dst(%dma_wait3A_737 : memref<16xf32, #tpu.memory_space<hbm>>)
        tpu.yield
      }) : () -> ()
    } else {
    }
    return
  }
}

module attributes {stable_mosaic.version = 14 : i64} {
  func.func @_tc_body(%arg0: i32, %arg1: memref<256x64xf32, #tpu.memory_space<vmem>>, %arg2: memref<2048x48xf32, #tpu.memory_space<vmem>>, %arg3: memref<2048x16xf32, #tpu.memory_space<vmem>>, %arg4: memref<128x256xf32, #tpu.memory_space<vmem>>, %arg5: memref<128x256xi32, #tpu.memory_space<vmem>>, %arg6: memref<256x128xf32, #tpu.memory_space<vmem>>, %arg7: memref<256x128xi32, #tpu.memory_space<vmem>>, %arg8: memref<256x2048xf32, #tpu.memory_space<vmem>>, %arg9: memref<256x128xf32, #tpu.memory_space<vmem>>, %arg10: memref<256x128xi32, #tpu.memory_space<vmem>>) attributes {dimension_semantics = [#tpu.dimension_semantics<arbitrary>], iteration_bounds = array<i64: 123>, scalar_prefetch = 0 : i64, scratch_operands = 5 : i64, tpu.core_type = #tpu.core_type<tc>, window_params = [{pipeline_mode = #tpu.pipeline_mode<synchronous>, transform_indices = @transform_0, window_bounds = array<i64: 256, 64>}, {transform_indices = @transform_1, window_bounds = array<i64: 2048, 48>}, {transform_indices = @transform_2, window_bounds = array<i64: 2048, 16>}, {pipeline_mode = #tpu.pipeline_mode<synchronous>, transform_indices = @transform_3, window_bounds = array<i64: 128, 256>}, {pipeline_mode = #tpu.pipeline_mode<synchronous>, transform_indices = @transform_4, window_bounds = array<i64: 128, 256>}]} {
    %eq3A = arith.constant 0 : i32
    %eq3A_0 = arith.cmpi eq, %arg0, %eq3A : i32
    %convert_element_type3A = arith.extui %eq3A_0 : i1 to i32
    %cond3A = arith.constant 0 : i32
    %cond3A_1 = arith.cmpi ne, %convert_element_type3A, %cond3A : i32
    scf.if %cond3A_1 {
      %broadcast_in_dim3A_140 = arith.constant 0x7F800000 : f32
      %broadcast_in_dim3A_141 = vector.broadcast %broadcast_in_dim3A_140 : f32 to vector<256x128xf32>
      %swap3A_142 = arith.constant 0 : index
      %swap3A_143 = arith.constant 0 : index
      %swap3A_144 = vector.load %arg6[%swap3A_142, %swap3A_143] : memref<256x128xf32, #tpu.memory_space<vmem>>, vector<256x128xf32>
      tpu.vector_store %arg6[%swap3A_142, %swap3A_143], %broadcast_in_dim3A_141 {strides = array<i32>} : memref<256x128xf32, #tpu.memory_space<vmem>>, vector<256x128xf32>,
      %broadcast_in_dim3A_145 = arith.constant 0 : i32
      %broadcast_in_dim3A_146 = vector.broadcast %broadcast_in_dim3A_145 : i32 to vector<256x128xi32>
      %swap3A_147 = arith.constant 0 : index
      %swap3A_148 = arith.constant 0 : index
      %swap3A_149 = vector.load %arg7[%swap3A_147, %swap3A_148] : memref<256x128xi32, #tpu.memory_space<vmem>>, vector<256x128xi32>
      tpu.vector_store %arg7[%swap3A_147, %swap3A_148], %broadcast_in_dim3A_146 {strides = array<i32>} : memref<256x128xi32, #tpu.memory_space<vmem>>, vector<256x128xi32>,
    } else {
    }
    %get3A = arith.constant 0 : index
    %get3A_2 = arith.constant 0 : index
    %get3A_3 = vector.load %arg1[%get3A, %get3A_2] : memref<256x64xf32, #tpu.memory_space<vmem>>, vector<256x64xf32>
    %get3A_4 = arith.constant 0 : index
    %get3A_5 = arith.constant 0 : index
    %get3A_6 = vector.load %arg2[%get3A_4, %get3A_5] : memref<2048x48xf32, #tpu.memory_space<vmem>>, vector<2048x48xf32>
    %get3A_7 = arith.constant 0 : index
    %get3A_8 = arith.constant 0 : index
    %get3A_9 = vector.load %arg3[%get3A_7, %get3A_8] : memref<2048x16xf32, #tpu.memory_space<vmem>>, vector<2048x16xf32>
    %concatenate3A = tpu.concatenate %get3A_6, %get3A_9 in 1 : vector<2048x48xf32>, vector<2048x16xf32> -> vector<2048x64xf32>
    %dot_general3A = arith.constant dense<0.000000e+00> : vector<256x2048xf32>
    %dot_general3A_10 = tpu.matmul %get3A_3, %concatenate3A, %dot_general3A {dimension_numbers = #tpu.dot_dimension_numbers<[1], [1], [0], [0], [0, 0, 1, 0], [], []>, transpose_lhs_hint = false} : vector<256x64xf32>, vector<2048x64xf32>, vector<256x2048xf32> -> vector<256x2048xf32>
    %transpose3A = tpu.transpose %concatenate3A, [1, 0] : vector<2048x64xf32> -> vector<64x2048xf32>
    %mul3A = arith.mulf %transpose3A, %transpose3A : vector<64x2048xf32>
    %reduce_sum3A = arith.constant dense<0.000000e+00> : vector<2048xf32>
    %reduce_sum3A_11 = vector.multi_reduction <add>, %mul3A, %reduce_sum3A [0] : vector<64x2048xf32> to vector<2048xf32>
    %broadcast_in_dim3A = vector.shape_cast %reduce_sum3A_11 : vector<2048xf32> to vector<1x2048xf32>
    %transpose3A_12 = tpu.transpose %get3A_3, [1, 0] : vector<256x64xf32> -> vector<64x256xf32>
    %mul3A_13 = arith.mulf %transpose3A_12, %transpose3A_12 : vector<64x256xf32>
    %reduce_sum3A_14 = arith.constant dense<0.000000e+00> : vector<256xf32>
    %reduce_sum3A_15 = vector.multi_reduction <add>, %mul3A_13, %reduce_sum3A_14 [0] : vector<64x256xf32> to vector<256xf32>
    %broadcast_in_dim3A_16 = vector.shape_cast %reduce_sum3A_15 : vector<256xf32> to vector<1x256xf32>
    %transpose3A_17 = tpu.transpose %broadcast_in_dim3A_16, [1, 0] : vector<1x256xf32> -> vector<256x1xf32>
    %mul3A_18 = arith.constant 2.000000e+00 : f32
    %mul3A_19 = vector.broadcast %mul3A_18 : f32 to vector<256x2048xf32>
    %mul3A_20 = arith.mulf %mul3A_19, %dot_general3A_10 : vector<256x2048xf32>
    %sub3A = vector.broadcast %transpose3A_17 : vector<256x1xf32> to vector<256x2048xf32>
    %sub3A_21 = arith.subf %sub3A, %mul3A_20 : vector<256x2048xf32>
    %add3A = vector.broadcast %broadcast_in_dim3A : vector<1x2048xf32> to vector<256x2048xf32>
    %add3A_22 = arith.addf %sub3A_21, %add3A : vector<256x2048xf32>
    %iota3A = tpu.iota {dimensions = array<i32: 1>} : vector<1x2048xi32>
    %mul3A_23 = arith.constant 2048 : i32
    %mul3A_24 = arith.muli %arg0, %mul3A_23 : i32
    %add3A_25 = vector.broadcast %mul3A_24 : i32 to vector<1x2048xi32>
    %add3A_26 = arith.addi %add3A_25, %iota3A : vector<1x2048xi32>
    %lt3A = arith.constant 250000 : i32
    %lt3A_27 = vector.broadcast %lt3A : i32 to vector<1x2048xi32>
    %lt3A_28 = arith.cmpi slt, %add3A_26, %lt3A_27 : vector<1x2048xi32>
    %jit3A = arith.constant 0x7F800000 : f32
    %broadcast_in_dim3A_29 = vector.shape_cast %lt3A_28 : vector<1x2048xi1> to vector<1x2048xi1>
    %broadcast_in_dim3A_30 = vector.broadcast %broadcast_in_dim3A_29 : vector<1x2048xi1> to vector<256x2048xi1>
    %broadcast_in_dim3A_31 = vector.broadcast %jit3A : f32 to vector<256x2048xf32>
    %select_n3A = arith.select %broadcast_in_dim3A_30, %add3A_22, %broadcast_in_dim3A_31 : vector<256x2048xi1>, vector<256x2048xf32>
    %swap3A = arith.constant 0 : index
    %swap3A_32 = arith.constant 0 : index
    %swap3A_33 = vector.load %arg8[%swap3A, %swap3A_32] : memref<256x2048xf32, #tpu.memory_space<vmem>>, vector<256x2048xf32>
    tpu.vector_store %arg8[%swap3A, %swap3A_32], %select_n3A {strides = array<i32>} : memref<256x2048xf32, #tpu.memory_space<vmem>>, vector<256x2048xf32>,
    %iota3A_34 = tpu.iota {dimensions = array<i32: 1>} : vector<256x128xi32>
    %slice3A = vector.extract_strided_slice %select_n3A {offsets = [0, 0], sizes = [256, 128], strides = [1, 1]} : vector<256x2048xf32> to vector<256x128xf32>
    %broadcast_in_dim3A_35 = arith.constant 0 : i32
    %broadcast_in_dim3A_36 = vector.broadcast %broadcast_in_dim3A_35 : i32 to vector<256x128xi32>
    %slice3A_37 = vector.extract_strided_slice %select_n3A {offsets = [0, 128], sizes = [256, 128], strides = [1, 1]} : vector<256x2048xf32> to vector<256x128xf32>
    %lt3A_38 = arith.cmpf olt, %slice3A_37, %slice3A : vector<256x128xf32>
    %select_n3A_39 = arith.select %lt3A_38, %slice3A_37, %slice3A : vector<256x128xi1>, vector<256x128xf32>
    %jit3A_40 = arith.constant 1 : i32
    %broadcast_in_dim3A_41 = vector.broadcast %jit3A_40 : i32 to vector<256x128xi32>
    %select_n3A_42 = arith.select %lt3A_38, %broadcast_in_dim3A_41, %broadcast_in_dim3A_36 : vector<256x128xi1>, vector<256x128xi32>
    %slice3A_43 = vector.extract_strided_slice %select_n3A {offsets = [0, 256], sizes = [256, 128], strides = [1, 1]} : vector<256x2048xf32> to vector<256x128xf32>
    %lt3A_44 = arith.cmpf olt, %slice3A_43, %select_n3A_39 : vector<256x128xf32>
    %select_n3A_45 = arith.select %lt3A_44, %slice3A_43, %select_n3A_39 : vector<256x128xi1>, vector<256x128xf32>
    %jit3A_46 = arith.constant 2 : i32
    %broadcast_in_dim3A_47 = vector.broadcast %jit3A_46 : i32 to vector<256x128xi32>
    %select_n3A_48 = arith.select %lt3A_44, %broadcast_in_dim3A_47, %select_n3A_42 : vector<256x128xi1>, vector<256x128xi32>
    %slice3A_49 = vector.extract_strided_slice %select_n3A {offsets = [0, 384], sizes = [256, 128], strides = [1, 1]} : vector<256x2048xf32> to vector<256x128xf32>
    %lt3A_50 = arith.cmpf olt, %slice3A_49, %select_n3A_45 : vector<256x128xf32>
    %select_n3A_51 = arith.select %lt3A_50, %slice3A_49, %select_n3A_45 : vector<256x128xi1>, vector<256x128xf32>
    %jit3A_52 = arith.constant 3 : i32
    %broadcast_in_dim3A_53 = vector.broadcast %jit3A_52 : i32 to vector<256x128xi32>
    %select_n3A_54 = arith.select %lt3A_50, %broadcast_in_dim3A_53, %select_n3A_48 : vector<256x128xi1>, vector<256x128xi32>
    %slice3A_55 = vector.extract_strided_slice %select_n3A {offsets = [0, 512], sizes = [256, 128], strides = [1, 1]} : vector<256x2048xf32> to vector<256x128xf32>
    %lt3A_56 = arith.cmpf olt, %slice3A_55, %select_n3A_51 : vector<256x128xf32>
    %select_n3A_57 = arith.select %lt3A_56, %slice3A_55, %select_n3A_51 : vector<256x128xi1>, vector<256x128xf32>
    %jit3A_58 = arith.constant 4 : i32
    %broadcast_in_dim3A_59 = vector.broadcast %jit3A_58 : i32 to vector<256x128xi32>
    %select_n3A_60 = arith.select %lt3A_56, %broadcast_in_dim3A_59, %select_n3A_54 : vector<256x128xi1>, vector<256x128xi32>
    %slice3A_61 = vector.extract_strided_slice %select_n3A {offsets = [0, 640], sizes = [256, 128], strides = [1, 1]} : vector<256x2048xf32> to vector<256x128xf32>
    %lt3A_62 = arith.cmpf olt, %slice3A_61, %select_n3A_57 : vector<256x128xf32>
    %select_n3A_63 = arith.select %lt3A_62, %slice3A_61, %select_n3A_57 : vector<256x128xi1>, vector<256x128xf32>
    %jit3A_64 = arith.constant 5 : i32
    %broadcast_in_dim3A_65 = vector.broadcast %jit3A_64 : i32 to vector<256x128xi32>
    %select_n3A_66 = arith.select %lt3A_62, %broadcast_in_dim3A_65, %select_n3A_60 : vector<256x128xi1>, vector<256x128xi32>
    %slice3A_67 = vector.extract_strided_slice %select_n3A {offsets = [0, 768], sizes = [256, 128], strides = [1, 1]} : vector<256x2048xf32> to vector<256x128xf32>
    %lt3A_68 = arith.cmpf olt, %slice3A_67, %select_n3A_63 : vector<256x128xf32>
    %select_n3A_69 = arith.select %lt3A_68, %slice3A_67, %select_n3A_63 : vector<256x128xi1>, vector<256x128xf32>
    %jit3A_70 = arith.constant 6 : i32
    %broadcast_in_dim3A_71 = vector.broadcast %jit3A_70 : i32 to vector<256x128xi32>
    %select_n3A_72 = arith.select %lt3A_68, %broadcast_in_dim3A_71, %select_n3A_66 : vector<256x128xi1>, vector<256x128xi32>
    %slice3A_73 = vector.extract_strided_slice %select_n3A {offsets = [0, 896], sizes = [256, 128], strides = [1, 1]} : vector<256x2048xf32> to vector<256x128xf32>
    %lt3A_74 = arith.cmpf olt, %slice3A_73, %select_n3A_69 : vector<256x128xf32>
    %select_n3A_75 = arith.select %lt3A_74, %slice3A_73, %select_n3A_69 : vector<256x128xi1>, vector<256x128xf32>
    %jit3A_76 = arith.constant 7 : i32
    %broadcast_in_dim3A_77 = vector.broadcast %jit3A_76 : i32 to vector<256x128xi32>
    %select_n3A_78 = arith.select %lt3A_74, %broadcast_in_dim3A_77, %select_n3A_72 : vector<256x128xi1>, vector<256x128xi32>
    %slice3A_79 = vector.extract_strided_slice %select_n3A {offsets = [0, 1024], sizes = [256, 128], strides = [1, 1]} : vector<256x2048xf32> to vector<256x128xf32>
    %lt3A_80 = arith.cmpf olt, %slice3A_79, %select_n3A_75 : vector<256x128xf32>
    %select_n3A_81 = arith.select %lt3A_80, %slice3A_79, %select_n3A_75 : vector<256x128xi1>, vector<256x128xf32>
    %jit3A_82 = arith.constant 8 : i32
    %broadcast_in_dim3A_83 = vector.broadcast %jit3A_82 : i32 to vector<256x128xi32>
    %select_n3A_84 = arith.select %lt3A_80, %broadcast_in_dim3A_83, %select_n3A_78 : vector<256x128xi1>, vector<256x128xi32>
    %slice3A_85 = vector.extract_strided_slice %select_n3A {offsets = [0, 1152], sizes = [256, 128], strides = [1, 1]} : vector<256x2048xf32> to vector<256x128xf32>
    %lt3A_86 = arith.cmpf olt, %slice3A_85, %select_n3A_81 : vector<256x128xf32>
    %select_n3A_87 = arith.select %lt3A_86, %slice3A_85, %select_n3A_81 : vector<256x128xi1>, vector<256x128xf32>
    %jit3A_88 = arith.constant 9 : i32
    %broadcast_in_dim3A_89 = vector.broadcast %jit3A_88 : i32 to vector<256x128xi32>
    %select_n3A_90 = arith.select %lt3A_86, %broadcast_in_dim3A_89, %select_n3A_84 : vector<256x128xi1>, vector<256x128xi32>
    %slice3A_91 = vector.extract_strided_slice %select_n3A {offsets = [0, 1280], sizes = [256, 128], strides = [1, 1]} : vector<256x2048xf32> to vector<256x128xf32>
    %lt3A_92 = arith.cmpf olt, %slice3A_91, %select_n3A_87 : vector<256x128xf32>
    %select_n3A_93 = arith.select %lt3A_92, %slice3A_91, %select_n3A_87 : vector<256x128xi1>, vector<256x128xf32>
    %jit3A_94 = arith.constant 10 : i32
    %broadcast_in_dim3A_95 = vector.broadcast %jit3A_94 : i32 to vector<256x128xi32>
    %select_n3A_96 = arith.select %lt3A_92, %broadcast_in_dim3A_95, %select_n3A_90 : vector<256x128xi1>, vector<256x128xi32>
    %slice3A_97 = vector.extract_strided_slice %select_n3A {offsets = [0, 1408], sizes = [256, 128], strides = [1, 1]} : vector<256x2048xf32> to vector<256x128xf32>
    %lt3A_98 = arith.cmpf olt, %slice3A_97, %select_n3A_93 : vector<256x128xf32>
    %select_n3A_99 = arith.select %lt3A_98, %slice3A_97, %select_n3A_93 : vector<256x128xi1>, vector<256x128xf32>
    %jit3A_100 = arith.constant 11 : i32
    %broadcast_in_dim3A_101 = vector.broadcast %jit3A_100 : i32 to vector<256x128xi32>
    %select_n3A_102 = arith.select %lt3A_98, %broadcast_in_dim3A_101, %select_n3A_96 : vector<256x128xi1>, vector<256x128xi32>
    %slice3A_103 = vector.extract_strided_slice %select_n3A {offsets = [0, 1536], sizes = [256, 128], strides = [1, 1]} : vector<256x2048xf32> to vector<256x128xf32>
    %lt3A_104 = arith.cmpf olt, %slice3A_103, %select_n3A_99 : vector<256x128xf32>
    %select_n3A_105 = arith.select %lt3A_104, %slice3A_103, %select_n3A_99 : vector<256x128xi1>, vector<256x128xf32>
    %jit3A_106 = arith.constant 12 : i32
    %broadcast_in_dim3A_107 = vector.broadcast %jit3A_106 : i32 to vector<256x128xi32>
    %select_n3A_108 = arith.select %lt3A_104, %broadcast_in_dim3A_107, %select_n3A_102 : vector<256x128xi1>, vector<256x128xi32>
    %slice3A_109 = vector.extract_strided_slice %select_n3A {offsets = [0, 1664], sizes = [256, 128], strides = [1, 1]} : vector<256x2048xf32> to vector<256x128xf32>
    %lt3A_110 = arith.cmpf olt, %slice3A_109, %select_n3A_105 : vector<256x128xf32>
    %select_n3A_111 = arith.select %lt3A_110, %slice3A_109, %select_n3A_105 : vector<256x128xi1>, vector<256x128xf32>
    %jit3A_112 = arith.constant 13 : i32
    %broadcast_in_dim3A_113 = vector.broadcast %jit3A_112 : i32 to vector<256x128xi32>
    %select_n3A_114 = arith.select %lt3A_110, %broadcast_in_dim3A_113, %select_n3A_108 : vector<256x128xi1>, vector<256x128xi32>
    %slice3A_115 = vector.extract_strided_slice %select_n3A {offsets = [0, 1792], sizes = [256, 128], strides = [1, 1]} : vector<256x2048xf32> to vector<256x128xf32>
    %lt3A_116 = arith.cmpf olt, %slice3A_115, %select_n3A_111 : vector<256x128xf32>
    %select_n3A_117 = arith.select %lt3A_116, %slice3A_115, %select_n3A_111 : vector<256x128xi1>, vector<256x128xf32>
    %jit3A_118 = arith.constant 14 : i32
    %broadcast_in_dim3A_119 = vector.broadcast %jit3A_118 : i32 to vector<256x128xi32>
    %select_n3A_120 = arith.select %lt3A_116, %broadcast_in_dim3A_119, %select_n3A_114 : vector<256x128xi1>, vector<256x128xi32>
    %slice3A_121 = vector.extract_strided_slice %select_n3A {offsets = [0, 1920], sizes = [256, 128], strides = [1, 1]} : vector<256x2048xf32> to vector<256x128xf32>
    %lt3A_122 = arith.cmpf olt, %slice3A_121, %select_n3A_117 : vector<256x128xf32>
    %select_n3A_123 = arith.select %lt3A_122, %slice3A_121, %select_n3A_117 : vector<256x128xi1>, vector<256x128xf32>
    %jit3A_124 = arith.constant 15 : i32
    %broadcast_in_dim3A_125 = vector.broadcast %jit3A_124 : i32 to vector<256x128xi32>
    %select_n3A_126 = arith.select %lt3A_122, %broadcast_in_dim3A_125, %select_n3A_120 : vector<256x128xi1>, vector<256x128xi32>
    %swap3A_127 = arith.constant 0 : index
    %swap3A_128 = arith.constant 0 : index
    %swap3A_129 = vector.load %arg9[%swap3A_127, %swap3A_128] : memref<256x128xf32, #tpu.memory_space<vmem>>, vector<256x128xf32>
    tpu.vector_store %arg9[%swap3A_127, %swap3A_128], %select_n3A_123 {strides = array<i32>} : memref<256x128xf32, #tpu.memory_space<vmem>>, vector<256x128xf32>,
    %swap3A_130 = arith.constant 0 : index
    %swap3A_131 = arith.constant 0 : index
    %swap3A_132 = vector.load %arg10[%swap3A_130, %swap3A_131] : memref<256x128xi32, #tpu.memory_space<vmem>>, vector<256x128xi32>
    tpu.vector_store %arg10[%swap3A_130, %swap3A_131], %select_n3A_126 {strides = array<i32>} : memref<256x128xi32, #tpu.memory_space<vmem>>, vector<256x128xi32>,
    %iota3A_133 = tpu.iota {dimensions = array<i32: 1>} : vector<256x2048xi32>
    %while3A = arith.constant 1 : i32
    %while3A_134 = scf.while (%while3A_140 = %while3A) : (i32) -> i32 {
      %ne3A = arith.constant 0 : i32
      %ne3A_141 = arith.cmpi ne, %while3A_140, %ne3A : i32
      scf.condition(%ne3A_141) %while3A_140 : i32
    } do {
    ^bb0(%while3A_140: i32):
      %get3A_141 = arith.constant 0 : index
      %get3A_142 = arith.constant 0 : index
      %get3A_143 = vector.load %arg9[%get3A_141, %get3A_142] : memref<256x128xf32, #tpu.memory_space<vmem>>, vector<256x128xf32>
      %reduce_min3A = arith.constant dense<0x7F800000> : vector<256xf32>
      %reduce_min3A_144 = vector.multi_reduction <minimumf>, %get3A_143, %reduce_min3A [1] : vector<256x128xf32> to vector<256xf32>
      %broadcast_in_dim3A_145 = vector.shape_cast %reduce_min3A_144 : vector<256xf32> to vector<256x1xf32>
      %get3A_146 = arith.constant 0 : index
      %get3A_147 = arith.constant 0 : index
      %get3A_148 = vector.load %arg6[%get3A_146, %get3A_147] : memref<256x128xf32, #tpu.memory_space<vmem>>, vector<256x128xf32>
      %slice3A_149 = vector.extract_strided_slice %get3A_148 {offsets = [0, 9], sizes = [256, 1], strides = [1, 1]} : vector<256x128xf32> to vector<256x1xf32>
      %lt3A_150 = arith.cmpf olt, %broadcast_in_dim3A_145, %slice3A_149 : vector<256x1xf32>
      %reduce_or3A = arith.constant 1.000000e+00 : f32
      %reduce_or3A_151 = arith.constant 0.000000e+00 : f32
      %reduce_or3A_152 = vector.broadcast %reduce_or3A : f32 to vector<256x1xf32>
      %reduce_or3A_153 = vector.broadcast %reduce_or3A_151 : f32 to vector<256x1xf32>
      %reduce_or3A_154 = arith.select %lt3A_150, %reduce_or3A_152, %reduce_or3A_153 : vector<256x1xi1>, vector<256x1xf32>
      %reduce_or3A_155 = vector.shape_cast %reduce_or3A_154 : vector<256x1xf32> to vector<1x256x1xf32>
      %reduce_or3A_156 = arith.constant dense<0xFF800000> : vector<1xf32>
      %reduce_or3A_157 = vector.multi_reduction <maximumf>, %reduce_or3A_155, %reduce_or3A_156 [1, 2] : vector<1x256x1xf32> to vector<1xf32>
      %reduce_or3A_158 = vector.shape_cast %reduce_or3A_157 : vector<1xf32> to vector<1x1x1xf32>
      %reduce_or3A_159 = vector.extract %reduce_or3A_158[0, 0, 0] : f32 from vector<1x1x1xf32>
      %reduce_or3A_160 = arith.constant 0.000000e+00 : f32
      %reduce_or3A_161 = arith.cmpf ogt, %reduce_or3A_159, %reduce_or3A_160 : f32
      %convert_element_type3A_162 = arith.extui %reduce_or3A_161 : i1 to i32
      %cond3A_163 = arith.constant 0 : i32
      %cond3A_164 = arith.cmpi ne, %convert_element_type3A_162, %cond3A_163 : i32
      scf.if %cond3A_164 {
        %get3A_168 = arith.constant 0 : index
        %get3A_169 = arith.constant 0 : index
        %get3A_170 = vector.load %arg10[%get3A_168, %get3A_169] : memref<256x128xi32, #tpu.memory_space<vmem>>, vector<256x128xi32>
        %mul3A_171 = arith.constant 128 : i32
        %mul3A_172 = vector.broadcast %mul3A_171 : i32 to vector<256x128xi32>
        %mul3A_173 = arith.muli %get3A_170, %mul3A_172 : vector<256x128xi32>
        %add3A_174 = arith.addi %mul3A_173, %iota3A_34 : vector<256x128xi32>
        %eq3A_175 = vector.broadcast %broadcast_in_dim3A_145 : vector<256x1xf32> to vector<256x128xf32>
        %eq3A_176 = arith.cmpf oeq, %get3A_143, %eq3A_175 : vector<256x128xf32>
        %jit3A_177 = arith.constant 1073741824 : i32
        %broadcast_in_dim3A_178 = vector.broadcast %jit3A_177 : i32 to vector<256x128xi32>
        %select_n3A_179 = arith.select %eq3A_176, %add3A_174, %broadcast_in_dim3A_178 : vector<256x128xi1>, vector<256x128xi32>
        %reduce_min3A_180 = arith.constant dense<2147483647> : vector<256xi32>
        %reduce_min3A_181 = vector.multi_reduction <minsi>, %select_n3A_179, %reduce_min3A_180 [1] : vector<256x128xi32> to vector<256xi32>
        %broadcast_in_dim3A_182 = vector.shape_cast %reduce_min3A_181 : vector<256xi32> to vector<256x1xi32>
        %get3A_183 = arith.constant 0 : index
        %get3A_184 = arith.constant 0 : index
        %get3A_185 = vector.load %arg8[%get3A_183, %get3A_184] : memref<256x2048xf32, #tpu.memory_space<vmem>>, vector<256x2048xf32>
        %eq3A_186 = vector.broadcast %broadcast_in_dim3A_182 : vector<256x1xi32> to vector<256x2048xi32>
        %eq3A_187 = arith.cmpi eq, %iota3A_133, %eq3A_186 : vector<256x2048xi32>
        %jit3A_188 = arith.constant 0x7F800000 : f32
        %broadcast_in_dim3A_189 = vector.broadcast %jit3A_188 : f32 to vector<256x2048xf32>
        %select_n3A_190 = arith.select %eq3A_187, %broadcast_in_dim3A_189, %get3A_185 : vector<256x2048xi1>, vector<256x2048xf32>
        %swap3A_191 = arith.constant 0 : index
        %swap3A_192 = arith.constant 0 : index
        %swap3A_193 = vector.load %arg8[%swap3A_191, %swap3A_192] : memref<256x2048xf32, #tpu.memory_space<vmem>>, vector<256x2048xf32>
        tpu.vector_store %arg8[%swap3A_191, %swap3A_192], %select_n3A_190 {strides = array<i32>} : memref<256x2048xf32, #tpu.memory_space<vmem>>, vector<256x2048xf32>,
        %slice3A_194 = vector.extract_strided_slice %select_n3A_190 {offsets = [0, 0], sizes = [256, 128], strides = [1, 1]} : vector<256x2048xf32> to vector<256x128xf32>
        %broadcast_in_dim3A_195 = arith.constant 0 : i32
        %broadcast_in_dim3A_196 = vector.broadcast %broadcast_in_dim3A_195 : i32 to vector<256x128xi32>
        %slice3A_197 = vector.extract_strided_slice %select_n3A_190 {offsets = [0, 128], sizes = [256, 128], strides = [1, 1]} : vector<256x2048xf32> to vector<256x128xf32>
        %lt3A_198 = arith.cmpf olt, %slice3A_197, %slice3A_194 : vector<256x128xf32>
        %select_n3A_199 = arith.select %lt3A_198, %slice3A_197, %slice3A_194 : vector<256x128xi1>, vector<256x128xf32>
        %jit3A_200 = arith.constant 1 : i32
        %broadcast_in_dim3A_201 = vector.broadcast %jit3A_200 : i32 to vector<256x128xi32>
        %select_n3A_202 = arith.select %lt3A_198, %broadcast_in_dim3A_201, %broadcast_in_dim3A_196 : vector<256x128xi1>, vector<256x128xi32>
        %slice3A_203 = vector.extract_strided_slice %select_n3A_190 {offsets = [0, 256], sizes = [256, 128], strides = [1, 1]} : vector<256x2048xf32> to vector<256x128xf32>
        %lt3A_204 = arith.cmpf olt, %slice3A_203, %select_n3A_199 : vector<256x128xf32>
        %select_n3A_205 = arith.select %lt3A_204, %slice3A_203, %select_n3A_199 : vector<256x128xi1>, vector<256x128xf32>
        %jit3A_206 = arith.constant 2 : i32
        %broadcast_in_dim3A_207 = vector.broadcast %jit3A_206 : i32 to vector<256x128xi32>
        %select_n3A_208 = arith.select %lt3A_204, %broadcast_in_dim3A_207, %select_n3A_202 : vector<256x128xi1>, vector<256x128xi32>
        %slice3A_209 = vector.extract_strided_slice %select_n3A_190 {offsets = [0, 384], sizes = [256, 128], strides = [1, 1]} : vector<256x2048xf32> to vector<256x128xf32>
        %lt3A_210 = arith.cmpf olt, %slice3A_209, %select_n3A_205 : vector<256x128xf32>
        %select_n3A_211 = arith.select %lt3A_210, %slice3A_209, %select_n3A_205 : vector<256x128xi1>, vector<256x128xf32>
        %jit3A_212 = arith.constant 3 : i32
        %broadcast_in_dim3A_213 = vector.broadcast %jit3A_212 : i32 to vector<256x128xi32>
        %select_n3A_214 = arith.select %lt3A_210, %broadcast_in_dim3A_213, %select_n3A_208 : vector<256x128xi1>, vector<256x128xi32>
        %slice3A_215 = vector.extract_strided_slice %select_n3A_190 {offsets = [0, 512], sizes = [256, 128], strides = [1, 1]} : vector<256x2048xf32> to vector<256x128xf32>
        %lt3A_216 = arith.cmpf olt, %slice3A_215, %select_n3A_211 : vector<256x128xf32>
        %select_n3A_217 = arith.select %lt3A_216, %slice3A_215, %select_n3A_211 : vector<256x128xi1>, vector<256x128xf32>
        %jit3A_218 = arith.constant 4 : i32
        %broadcast_in_dim3A_219 = vector.broadcast %jit3A_218 : i32 to vector<256x128xi32>
        %select_n3A_220 = arith.select %lt3A_216, %broadcast_in_dim3A_219, %select_n3A_214 : vector<256x128xi1>, vector<256x128xi32>
        %slice3A_221 = vector.extract_strided_slice %select_n3A_190 {offsets = [0, 640], sizes = [256, 128], strides = [1, 1]} : vector<256x2048xf32> to vector<256x128xf32>
        %lt3A_222 = arith.cmpf olt, %slice3A_221, %select_n3A_217 : vector<256x128xf32>
        %select_n3A_223 = arith.select %lt3A_222, %slice3A_221, %select_n3A_217 : vector<256x128xi1>, vector<256x128xf32>
        %jit3A_224 = arith.constant 5 : i32
        %broadcast_in_dim3A_225 = vector.broadcast %jit3A_224 : i32 to vector<256x128xi32>
        %select_n3A_226 = arith.select %lt3A_222, %broadcast_in_dim3A_225, %select_n3A_220 : vector<256x128xi1>, vector<256x128xi32>
        %slice3A_227 = vector.extract_strided_slice %select_n3A_190 {offsets = [0, 768], sizes = [256, 128], strides = [1, 1]} : vector<256x2048xf32> to vector<256x128xf32>
        %lt3A_228 = arith.cmpf olt, %slice3A_227, %select_n3A_223 : vector<256x128xf32>
        %select_n3A_229 = arith.select %lt3A_228, %slice3A_227, %select_n3A_223 : vector<256x128xi1>, vector<256x128xf32>
        %jit3A_230 = arith.constant 6 : i32
        %broadcast_in_dim3A_231 = vector.broadcast %jit3A_230 : i32 to vector<256x128xi32>
        %select_n3A_232 = arith.select %lt3A_228, %broadcast_in_dim3A_231, %select_n3A_226 : vector<256x128xi1>, vector<256x128xi32>
        %slice3A_233 = vector.extract_strided_slice %select_n3A_190 {offsets = [0, 896], sizes = [256, 128], strides = [1, 1]} : vector<256x2048xf32> to vector<256x128xf32>
        %lt3A_234 = arith.cmpf olt, %slice3A_233, %select_n3A_229 : vector<256x128xf32>
        %select_n3A_235 = arith.select %lt3A_234, %slice3A_233, %select_n3A_229 : vector<256x128xi1>, vector<256x128xf32>
        %jit3A_236 = arith.constant 7 : i32
        %broadcast_in_dim3A_237 = vector.broadcast %jit3A_236 : i32 to vector<256x128xi32>
        %select_n3A_238 = arith.select %lt3A_234, %broadcast_in_dim3A_237, %select_n3A_232 : vector<256x128xi1>, vector<256x128xi32>
        %slice3A_239 = vector.extract_strided_slice %select_n3A_190 {offsets = [0, 1024], sizes = [256, 128], strides = [1, 1]} : vector<256x2048xf32> to vector<256x128xf32>
        %lt3A_240 = arith.cmpf olt, %slice3A_239, %select_n3A_235 : vector<256x128xf32>
        %select_n3A_241 = arith.select %lt3A_240, %slice3A_239, %select_n3A_235 : vector<256x128xi1>, vector<256x128xf32>
        %jit3A_242 = arith.constant 8 : i32
        %broadcast_in_dim3A_243 = vector.broadcast %jit3A_242 : i32 to vector<256x128xi32>
        %select_n3A_244 = arith.select %lt3A_240, %broadcast_in_dim3A_243, %select_n3A_238 : vector<256x128xi1>, vector<256x128xi32>
        %slice3A_245 = vector.extract_strided_slice %select_n3A_190 {offsets = [0, 1152], sizes = [256, 128], strides = [1, 1]} : vector<256x2048xf32> to vector<256x128xf32>
        %lt3A_246 = arith.cmpf olt, %slice3A_245, %select_n3A_241 : vector<256x128xf32>
        %select_n3A_247 = arith.select %lt3A_246, %slice3A_245, %select_n3A_241 : vector<256x128xi1>, vector<256x128xf32>
        %jit3A_248 = arith.constant 9 : i32
        %broadcast_in_dim3A_249 = vector.broadcast %jit3A_248 : i32 to vector<256x128xi32>
        %select_n3A_250 = arith.select %lt3A_246, %broadcast_in_dim3A_249, %select_n3A_244 : vector<256x128xi1>, vector<256x128xi32>
        %slice3A_251 = vector.extract_strided_slice %select_n3A_190 {offsets = [0, 1280], sizes = [256, 128], strides = [1, 1]} : vector<256x2048xf32> to vector<256x128xf32>
        %lt3A_252 = arith.cmpf olt, %slice3A_251, %select_n3A_247 : vector<256x128xf32>
        %select_n3A_253 = arith.select %lt3A_252, %slice3A_251, %select_n3A_247 : vector<256x128xi1>, vector<256x128xf32>
        %jit3A_254 = arith.constant 10 : i32
        %broadcast_in_dim3A_255 = vector.broadcast %jit3A_254 : i32 to vector<256x128xi32>
        %select_n3A_256 = arith.select %lt3A_252, %broadcast_in_dim3A_255, %select_n3A_250 : vector<256x128xi1>, vector<256x128xi32>
        %slice3A_257 = vector.extract_strided_slice %select_n3A_190 {offsets = [0, 1408], sizes = [256, 128], strides = [1, 1]} : vector<256x2048xf32> to vector<256x128xf32>
        %lt3A_258 = arith.cmpf olt, %slice3A_257, %select_n3A_253 : vector<256x128xf32>
        %select_n3A_259 = arith.select %lt3A_258, %slice3A_257, %select_n3A_253 : vector<256x128xi1>, vector<256x128xf32>
        %jit3A_260 = arith.constant 11 : i32
        %broadcast_in_dim3A_261 = vector.broadcast %jit3A_260 : i32 to vector<256x128xi32>
        %select_n3A_262 = arith.select %lt3A_258, %broadcast_in_dim3A_261, %select_n3A_256 : vector<256x128xi1>, vector<256x128xi32>
        %slice3A_263 = vector.extract_strided_slice %select_n3A_190 {offsets = [0, 1536], sizes = [256, 128], strides = [1, 1]} : vector<256x2048xf32> to vector<256x128xf32>
        %lt3A_264 = arith.cmpf olt, %slice3A_263, %select_n3A_259 : vector<256x128xf32>
        %select_n3A_265 = arith.select %lt3A_264, %slice3A_263, %select_n3A_259 : vector<256x128xi1>, vector<256x128xf32>
        %jit3A_266 = arith.constant 12 : i32
        %broadcast_in_dim3A_267 = vector.broadcast %jit3A_266 : i32 to vector<256x128xi32>
        %select_n3A_268 = arith.select %lt3A_264, %broadcast_in_dim3A_267, %select_n3A_262 : vector<256x128xi1>, vector<256x128xi32>
        %slice3A_269 = vector.extract_strided_slice %select_n3A_190 {offsets = [0, 1664], sizes = [256, 128], strides = [1, 1]} : vector<256x2048xf32> to vector<256x128xf32>
        %lt3A_270 = arith.cmpf olt, %slice3A_269, %select_n3A_265 : vector<256x128xf32>
        %select_n3A_271 = arith.select %lt3A_270, %slice3A_269, %select_n3A_265 : vector<256x128xi1>, vector<256x128xf32>
        %jit3A_272 = arith.constant 13 : i32
        %broadcast_in_dim3A_273 = vector.broadcast %jit3A_272 : i32 to vector<256x128xi32>
        %select_n3A_274 = arith.select %lt3A_270, %broadcast_in_dim3A_273, %select_n3A_268 : vector<256x128xi1>, vector<256x128xi32>
        %slice3A_275 = vector.extract_strided_slice %select_n3A_190 {offsets = [0, 1792], sizes = [256, 128], strides = [1, 1]} : vector<256x2048xf32> to vector<256x128xf32>
        %lt3A_276 = arith.cmpf olt, %slice3A_275, %select_n3A_271 : vector<256x128xf32>
        %select_n3A_277 = arith.select %lt3A_276, %slice3A_275, %select_n3A_271 : vector<256x128xi1>, vector<256x128xf32>
        %jit3A_278 = arith.constant 14 : i32
        %broadcast_in_dim3A_279 = vector.broadcast %jit3A_278 : i32 to vector<256x128xi32>
        %select_n3A_280 = arith.select %lt3A_276, %broadcast_in_dim3A_279, %select_n3A_274 : vector<256x128xi1>, vector<256x128xi32>
        %slice3A_281 = vector.extract_strided_slice %select_n3A_190 {offsets = [0, 1920], sizes = [256, 128], strides = [1, 1]} : vector<256x2048xf32> to vector<256x128xf32>
        %lt3A_282 = arith.cmpf olt, %slice3A_281, %select_n3A_277 : vector<256x128xf32>
        %select_n3A_283 = arith.select %lt3A_282, %slice3A_281, %select_n3A_277 : vector<256x128xi1>, vector<256x128xf32>
        %jit3A_284 = arith.constant 15 : i32
        %broadcast_in_dim3A_285 = vector.broadcast %jit3A_284 : i32 to vector<256x128xi32>
        %select_n3A_286 = arith.select %lt3A_282, %broadcast_in_dim3A_285, %select_n3A_280 : vector<256x128xi1>, vector<256x128xi32>
        %swap3A_287 = arith.constant 0 : index
        %swap3A_288 = arith.constant 0 : index
        %swap3A_289 = vector.load %arg9[%swap3A_287, %swap3A_288] : memref<256x128xf32, #tpu.memory_space<vmem>>, vector<256x128xf32>
        tpu.vector_store %arg9[%swap3A_287, %swap3A_288], %select_n3A_283 {strides = array<i32>} : memref<256x128xf32, #tpu.memory_space<vmem>>, vector<256x128xf32>,
        %swap3A_290 = arith.constant 0 : index
        %swap3A_291 = arith.constant 0 : index
        %swap3A_292 = vector.load %arg10[%swap3A_290, %swap3A_291] : memref<256x128xi32, #tpu.memory_space<vmem>>, vector<256x128xi32>
        tpu.vector_store %arg10[%swap3A_290, %swap3A_291], %select_n3A_286 {strides = array<i32>} : memref<256x128xi32, #tpu.memory_space<vmem>>, vector<256x128xi32>,
        %mul3A_293 = arith.constant 2048 : i32
        %mul3A_294 = arith.muli %arg0, %mul3A_293 : i32
        %add3A_295 = vector.broadcast %mul3A_294 : i32 to vector<256x1xi32>
        %add3A_296 = arith.addi %broadcast_in_dim3A_182, %add3A_295 : vector<256x1xi32>
        %get3A_297 = arith.constant 0 : index
        %get3A_298 = arith.constant 0 : index
        %get3A_299 = vector.load %arg7[%get3A_297, %get3A_298] : memref<256x128xi32, #tpu.memory_space<vmem>>, vector<256x128xi32>
        %broadcast_in_dim3A_300 = arith.constant 0xFF800000 : f32
        %broadcast_in_dim3A_301 = vector.broadcast %broadcast_in_dim3A_300 : f32 to vector<256x1xf32>
        %slice3A_302 = vector.extract_strided_slice %get3A_148 {offsets = [0, 0], sizes = [256, 127], strides = [1, 1]} : vector<256x128xf32> to vector<256x127xf32>
        %concatenate3A_303 = tpu.concatenate %broadcast_in_dim3A_301, %slice3A_302 in 1 : vector<256x1xf32>, vector<256x127xf32> -> vector<256x128xf32>
        %broadcast_in_dim3A_304 = arith.constant 0 : i32
        %broadcast_in_dim3A_305 = vector.broadcast %broadcast_in_dim3A_304 : i32 to vector<256x1xi32>
        %slice3A_306 = vector.extract_strided_slice %get3A_299 {offsets = [0, 0], sizes = [256, 127], strides = [1, 1]} : vector<256x128xi32> to vector<256x127xi32>
        %concatenate3A_307 = tpu.concatenate %broadcast_in_dim3A_305, %slice3A_306 in 1 : vector<256x1xi32>, vector<256x127xi32> -> vector<256x128xi32>
        %gt3A = vector.broadcast %broadcast_in_dim3A_145 : vector<256x1xf32> to vector<256x128xf32>
        %gt3A_308 = arith.cmpf ogt, %get3A_148, %gt3A : vector<256x128xf32>
        %gt3A_309 = vector.broadcast %broadcast_in_dim3A_145 : vector<256x1xf32> to vector<256x128xf32>
        %gt3A_310 = arith.cmpf ogt, %concatenate3A_303, %gt3A_309 : vector<256x128xf32>
        %broadcast_in_dim3A_311 = vector.shape_cast %broadcast_in_dim3A_145 : vector<256x1xf32> to vector<256x1xf32>
        %broadcast_in_dim3A_312 = vector.broadcast %broadcast_in_dim3A_311 : vector<256x1xf32> to vector<256x128xf32>
        %select_n3A_313 = arith.select %gt3A_310, %concatenate3A_303, %broadcast_in_dim3A_312 : vector<256x128xi1>, vector<256x128xf32>
        %select_n3A_314 = arith.select %gt3A_308, %select_n3A_313, %get3A_148 : vector<256x128xi1>, vector<256x128xf32>
        %broadcast_in_dim3A_315 = vector.shape_cast %add3A_296 : vector<256x1xi32> to vector<256x1xi32>
        %broadcast_in_dim3A_316 = vector.broadcast %broadcast_in_dim3A_315 : vector<256x1xi32> to vector<256x128xi32>
        %select_n3A_317 = arith.select %gt3A_310, %concatenate3A_307, %broadcast_in_dim3A_316 : vector<256x128xi1>, vector<256x128xi32>
        %select_n3A_318 = arith.select %gt3A_308, %select_n3A_317, %get3A_299 : vector<256x128xi1>, vector<256x128xi32>
        %broadcast_in_dim3A_319 = vector.shape_cast %lt3A_150 : vector<256x1xi1> to vector<256x1xi1>
        %broadcast_in_dim3A_320 = vector.broadcast %broadcast_in_dim3A_319 : vector<256x1xi1> to vector<256x128xi1>
        %select_n3A_321 = arith.select %broadcast_in_dim3A_320, %select_n3A_314, %get3A_148 : vector<256x128xi1>, vector<256x128xf32>
        %swap3A_322 = arith.constant 0 : index
        %swap3A_323 = arith.constant 0 : index
        %swap3A_324 = vector.load %arg6[%swap3A_322, %swap3A_323] : memref<256x128xf32, #tpu.memory_space<vmem>>, vector<256x128xf32>
        tpu.vector_store %arg6[%swap3A_322, %swap3A_323], %select_n3A_321 {strides = array<i32>} : memref<256x128xf32, #tpu.memory_space<vmem>>, vector<256x128xf32>,
        %broadcast_in_dim3A_325 = vector.shape_cast %lt3A_150 : vector<256x1xi1> to vector<256x1xi1>
        %broadcast_in_dim3A_326 = vector.broadcast %broadcast_in_dim3A_325 : vector<256x1xi1> to vector<256x128xi1>
        %select_n3A_327 = arith.select %broadcast_in_dim3A_326, %select_n3A_318, %get3A_299 : vector<256x128xi1>, vector<256x128xi32>
        %swap3A_328 = arith.constant 0 : index
        %swap3A_329 = arith.constant 0 : index
        %swap3A_330 = vector.load %arg7[%swap3A_328, %swap3A_329] : memref<256x128xi32, #tpu.memory_space<vmem>>, vector<256x128xi32>
        tpu.vector_store %arg7[%swap3A_328, %swap3A_329], %select_n3A_327 {strides = array<i32>} : memref<256x128xi32, #tpu.memory_space<vmem>>, vector<256x128xi32>,
      } else {
      }
      %jit3A_165 = arith.constant 1 : i32
      %jit3A_166 = arith.constant 0 : i32
      %select_n3A_167 = arith.select %reduce_or3A_161, %jit3A_165, %jit3A_166 : i32
      scf.yield %select_n3A_167 : i32
    }
    %eq3A_135 = arith.constant 122 : i32
    %eq3A_136 = arith.cmpi eq, %arg0, %eq3A_135 : i32
    %convert_element_type3A_137 = arith.extui %eq3A_136 : i1 to i32
    %cond3A_138 = arith.constant 0 : i32
    %cond3A_139 = arith.cmpi ne, %convert_element_type3A_137, %cond3A_138 : i32
    scf.if %cond3A_139 {
      %get3A_140 = arith.constant 0 : index
      %get3A_141 = arith.constant 0 : index
      %get3A_142 = vector.load %arg6[%get3A_140, %get3A_141] : memref<256x128xf32, #tpu.memory_space<vmem>>, vector<256x128xf32>
      %transpose3A_143 = tpu.transpose %get3A_142, [1, 0] : vector<256x128xf32> -> vector<128x256xf32>
      %swap3A_144 = arith.constant 0 : index
      %swap3A_145 = arith.constant 0 : index
      %swap3A_146 = vector.load %arg4[%swap3A_144, %swap3A_145] : memref<128x256xf32, #tpu.memory_space<vmem>>, vector<128x256xf32>
      tpu.vector_store %arg4[%swap3A_144, %swap3A_145], %transpose3A_143 {strides = array<i32>} : memref<128x256xf32, #tpu.memory_space<vmem>>, vector<128x256xf32>,
      %get3A_147 = arith.constant 0 : index
      %get3A_148 = arith.constant 0 : index
      %get3A_149 = vector.load %arg7[%get3A_147, %get3A_148] : memref<256x128xi32, #tpu.memory_space<vmem>>, vector<256x128xi32>
      %transpose3A_150 = tpu.transpose %get3A_149, [1, 0] : vector<256x128xi32> -> vector<128x256xi32>
      %swap3A_151 = arith.constant 0 : index
      %swap3A_152 = arith.constant 0 : index
      %swap3A_153 = vector.load %arg5[%swap3A_151, %swap3A_152] : memref<128x256xi32, #tpu.memory_space<vmem>>, vector<128x256xi32>
      tpu.vector_store %arg5[%swap3A_151, %swap3A_152], %transpose3A_150 {strides = array<i32>} : memref<128x256xi32, #tpu.memory_space<vmem>>, vector<128x256xi32>,
    } else {
    }
    return
  }
  func.func @transform_0(%arg0: i32) -> (i32, i32) {
    %c0_i32 = arith.constant 0 : i32
    %c0_i32_0 = arith.constant 0 : i32
    %c0_i32_1 = arith.constant 0 : i32
    return %c0_i32, %c0_i32_0 : i32, i32
  }
  func.func @transform_1(%arg0: i32) -> (i32, i32) {
    %c0_i32 = arith.constant 0 : i32
    %c0_i32_0 = arith.constant 0 : i32
    return %arg0, %c0_i32 : i32, i32
  }
  func.func @transform_2(%arg0: i32) -> (i32, i32) {
    %c0_i32 = arith.constant 0 : i32
    %c0_i32_0 = arith.constant 0 : i32
    return %arg0, %c0_i32 : i32, i32
  }
  func.func @transform_3(%arg0: i32) -> (i32, i32) {
    %c0_i32 = arith.constant 0 : i32
    %c0_i32_0 = arith.constant 0 : i32
    %c0_i32_1 = arith.constant 0 : i32
    return %c0_i32, %c0_i32_0 : i32, i32
  }
  func.func @transform_4(%arg0: i32) -> (i32, i32) {
    %c0_i32 = arith.constant 0 : i32
    %c0_i32_0 = arith.constant 0 : i32
    %c0_i32_1 = arith.constant 0 : i32
    return %c0_i32, %c0_i32_0 : i32, i32
  }
}

</mosaic_0001>

<sc_bundles>
// kernel: kernel.4.cloned.1.call-start
scs
__scs_entry_jumppad:
0x0: {  	(pc) =	sbr.rel $0x88, $3  }
0x1: {  	(tag) =	ssettag $0x0;
	lr =	simm.s32 $0x1  }
0x2: {  	[smem:$0x3F9C] =	sst lr;
	_ =	strace $0xD0000000  }
0x3: {  	_ = 	snop  }
0x4: {  	_ = 	snop  }
0x5: {  	_ = 	snop  }
0x6: {  	_ = 	snop  }
0x7: {  	_ = 	snop  }
__scs_overlays_trampoline_lowered:
0x8: {  	[smem:$0x3FAB] =	sst s0  }
0x9: {  	[smem:$0x3FAC] =	sst s1  }
0xa: {  	[smem:$0x3FAD] =	sst s2  }
0xb: {  	[smem:$0x3FAE] =	sst s3  }
0xc: {  	[smem:$0x3FAF] =	sst s4  }
0xd: {  	[smem:$0x3FB0] =	sst s5  }
0xe: {  	[smem:$0x3FB1] =	sst s6  }
0xf: {  	[smem:$0x3FB2] =	sst s7  }
0x10: {  	[smem:$0x3FB3] =	sst s8  }
0x11: {  	[smem:$0x3FB4] =	sst s9;
	s0 =	simm.s32 @!p0 $0x0  }
0x12: {  	s1 =	sld [smem:$0x3F9A];
	s0 =	simm.s32 @p0 $0x1  }
0x13: {  	[smem:$0x3FB5] =	sst s0;
	s0 =	simm.s32 @!p1 $0x0  }
0x14: {  	s2 =	sld [smem:$0x3F99];
	s0 =	simm.s32 @p1 $0x1  }
0x15: {  	[smem:$0x3FB6] =	sst s0;
	s0 =	simm.s32 @!p2 $0x0  }
0x16: {  	s3 =	sld [smem:$0x3FDB];
	s0 =	simm.s32 @p2 $0x1  }
0x17: {  	s4 =	simm.s32 $0x1BF5;
	[smem:$0x3FB8] =	sst s0  }
0x18: {  	s0 =	sld [smem:$0x3F9B];
	_ =	swait.ge [sflag:s4], $0x0  }
0x19: {  	s7 =	sld [smem:$0x3F9C]  }
0x1a: {  	s8 =	sadd.s32 $0xFFFFE003, lr  }
0x1b: {  	s9 =	sadd.s32 $0xFFFFFEF7, lr;
	s5 =	simm.s32 $0xFFFFFFFF;
	p2 =	slt.u32 s8, $0xFFFFF086  }
0x1c: {  	p1 =	slt.u32 s9, $0xF7A;
	s5 =	simm.s32 @!p2 $0x0  }
0x1d: {  	s5 =	simm.s32 @p1 $0x1;
	p0 =	seq.s32 s7, s2  }
0x1e: {  	s7 =	smul.u32 @!p0 $0xF7A, s2;
	p2 =	seq.s32 @!p0 s5, $0x0  }
0x1f: {  	s9 =	smul.u32 $0xF7A, s1;
	s8 =	simm.s32 @!p0 $0x1BF5;
	p2 =	por !p2, p0  }
0x20: {  	[sflag:s8] =	ssyncset.s32 @!p0 $0xFFFFF086;
	s6 =	sadd.s32 @!p0 s3, s7;
	s7 =	simm.s32 @!p0 $0x108  }
0x21: {  	s3 =	sadd.s32 s3, s9;
	s6 =	sadd.s32 @!p0 $0x88, s6;
	s7 =	simm.s32 @p2 $0x1082  }
0x22: {  	[simem:s7], [sflag:s8] =	dma.local @!p0 [hbm:s6], $0xF7A  }
0x23: {  	s9 =	sor.u32 $0xD0000000, s2;
	s6 =	simm.s32 $0x108;
	_ =	swait.ge @!p0 [sflag:s8], $0x0  }
0x24: {  	s3 =	sadd.s32 $0x88, s3;
	s6 =	simm.s32 @!p1 $0x1082;
	[sflag:s4] =	ssyncset.s32 $0xFFFFF086  }
0x25: {  	[simem:s6], [sflag:s4] =	dma.local [hbm:s3], $0xF7A  }
0x26: {  	[smem:$0x3F9C] =	sst s1;
	(tag) =	ssettag s2;
	_ =	strace s9  }
0x27: {  	s1 =	sld [smem:$0x3FAC]  }
0x28: {  	s2 =	sld [smem:$0x3FAD]  }
0x29: {  	s4 =	sld [smem:$0x3FAF]  }
0x2a: {  	p0 =	seq.s32 s5, $0x0;
	s5 =	sld [smem:$0x3FB0]  }
0x2b: {  	s6 =	sld [smem:$0x3FB1]  }
0x2c: {  	s7 =	sld [smem:$0x3FB2]  }
0x2d: {  	s3 =	simm.s32 $0x108;
	s8 =	sld [smem:$0x3FB3]  }
0x2e: {  	s3 =	simm.s32 @!p0 $0x1082;
	s9 =	sld [smem:$0x3FB4]  }
0x2f: {  	lr =	sadd.s32 s0, s3;
	s0 =	sld [smem:$0x3FAB]  }
0x30: {  	s3 =	sld [smem:$0x3FAE]  }
0x31: {  	[smem:$0x3FB7] =	sst s10  }
0x32: {  	s10 =	sld [smem:$0x3FB5];
	_ =	sdelay $0x3  }
0x33: {  	p0 =	seq.s32 s10, $0x1;
	s10 =	sld [smem:$0x3FB7];
	_ =	sdelay $0x3  }
0x34: {  	[smem:$0x3FB7] =	sst s10  }
0x35: {  	s10 =	sld [smem:$0x3FB6];
	_ =	sdelay $0x3  }
0x36: {  	p1 =	seq.s32 s10, $0x1;
	s10 =	sld [smem:$0x3FB7];
	_ =	sdelay $0x3  }
0x37: {  	[smem:$0x3FB7] =	sst s10  }
0x38: {  	s10 =	sld [smem:$0x3FB8]  }
0x39: {  	_ = 	snop;
	(pc) =	sbr.ind lr, $3  }
0x3a: {  	_ = 	snop  }
0x3b: {  	_ = 	snop  }
0x3c: {  	p2 =	seq.s32 s10, $0x1;
	s10 =	sld [smem:$0x3FB7]  }
0x3d: {  	_ =	shalt  }
0x3e: {  	_ =	shalt  }
0x3f: {  	_ =	shalt  }
0x40: {  	_ =	shalt  }
0x41: {  	_ =	shalt  }
0x42: {  	_ =	shalt  }
0x43: {  	_ =	shalt  }
0x44: {  	_ =	shalt  }
0x45: {  	_ =	shalt  }
0x46: {  	_ =	shalt  }
0x47: {  	_ =	shalt  }
0x48: {  	_ =	shalt  }
0x49: {  	_ =	shalt  }
0x4a: {  	_ =	shalt  }
0x4b: {  	_ =	shalt  }
0x4c: {  	_ =	shalt  }
0x4d: {  	_ =	shalt  }
0x4e: {  	_ =	shalt  }
0x4f: {  	_ =	shalt  }
0x50: {  	_ =	shalt  }
0x51: {  	_ =	shalt  }
0x52: {  	_ =	shalt  }
0x53: {  	_ =	shalt  }
0x54: {  	_ =	shalt  }
0x55: {  	_ =	shalt  }
0x56: {  	_ =	shalt  }
0x57: {  	_ =	shalt  }
0x58: {  	_ =	shalt  }
0x59: {  	_ =	shalt  }
0x5a: {  	_ =	shalt  }
0x5b: {  	_ =	shalt  }
0x5c: {  	_ =	shalt  }
0x5d: {  	_ =	shalt  }
0x5e: {  	_ =	shalt  }
0x5f: {  	_ =	shalt  }
0x60: {  	_ =	shalt  }
0x61: {  	_ =	shalt  }
0x62: {  	_ =	shalt  }
0x63: {  	_ =	shalt  }
0x64: {  	_ =	shalt  }
0x65: {  	_ =	shalt  }
0x66: {  	_ =	shalt  }
0x67: {  	_ =	shalt  }
0x68: {  	_ =	shalt  }
0x69: {  	_ =	shalt  }
0x6a: {  	_ =	shalt  }
0x6b: {  	_ =	shalt  }
0x6c: {  	_ =	shalt  }
0x6d: {  	_ =	shalt  }
0x6e: {  	_ =	shalt  }
0x6f: {  	_ =	shalt  }
0x70: {  	_ =	shalt  }
0x71: {  	_ =	shalt  }
0x72: {  	_ =	shalt  }
0x73: {  	_ =	shalt  }
0x74: {  	_ =	shalt  }
0x75: {  	_ =	shalt  }
0x76: {  	_ =	shalt  }
0x77: {  	_ =	shalt  }
0x78: {  	_ =	shalt  }
0x79: {  	_ =	shalt  }
0x7a: {  	_ =	shalt  }
0x7b: {  	_ =	shalt  }
0x7c: {  	_ =	shalt  }
0x7d: {  	_ =	shalt  }
0x7e: {  	_ =	shalt  }
0x7f: {  	_ =	shalt  }
0x80: {  	_ =	shalt  }
0x81: {  	_ =	shalt  }
0x82: {  	_ =	shalt  }
0x83: {  	_ =	shalt  }
0x84: {  	_ =	shalt  }
0x85: {  	_ =	shalt  }
0x86: {  	_ =	shalt  }
0x87: {  	_ =	shalt  }
.Lfunc_end0:
.L_simem_size_0:
called_computation_lowered:
.L_overlay_start_0:
0x88: {  	s2 =	sld [smem:$0x3FD9]  }
0x89: {  	s3 =	sld [smem:$0x3FFE];
	_ =	sdelay $0x1  }
0x8a: {  	s1 =	srdreg.scid  }
0x8b: {  	s0 =	sand.u32 $0x1, s1  }
0x8c: {  	s17 =	sshll.u32 s0, $0xA;
	s2 =	sadd.s32 s3, s2  }
0x8d: {  	s2 =	sadd.s32 s2, s17  }
0x8e: {  	[smem:$0x3FC3] =	sst s2  }
0x8f: {  	_ = 	snop  }
0x90: {  	s2 =	sld [smem:$0x3FD0];
	(tm) =	ssettm $0x1  }
0x91: {  	s18 =	sld [smem:$0x3FFB];
	_ =	sdelay $0x3  }
0x92: {  	_ =	strace s18  }
0x93: {  	s3 =	sld [smem:$0x3FFC];
	_ =	sdelay $0x3  }
0x94: {  	_ =	strace s3  }
0x95: {  	s3 =	sld [smem:$0x3FFD];
	_ =	sdelay $0x3  }
0x96: {  	_ =	strace s3  }
0x97: {  	_ =	strace $0x8FFFFFFF  }
0x98: {  	s19 =	sld [smem:$0x3FDB];
	_ =	sdelay $0x1  }
0x99: {  	s4 =	simm.s32 $_scs_section_size  }
0x9a: {  	s5 =	simm.s32 $_size__tile_overlayer_lowered;
	s6 =	simm.s32 $_tile_overlayer_lowered  }
0x9b: {  	s22 =	simm.s32 $0x1BFF;
	s21 =	sshll.u32 s6, $0x1;
	s3 =	sadd.s32 s4, s19  }
0x9c: {  	s7 =	simm.s32 $0x0;
	s20 =	sshll.u32 s5, $0x1;
	s5 =	sadd.s32 s21, s3  }
0x9d: {  	[timem:s7], [sflag:s22] =	dma.local [hbm:s5], s20  }
0x9e: {  	_ =	swait.ge [sflag:s22], s20  }
0x9f: {  	s4 =	ssub.s32 $0x0, s20;
	[sflag:s22] =	ssyncset.done $0x0  }
0xa0: {  	[sflag:s22] =	ssyncadd.s32 s4;
	_ =	sdelay $0x1  }
0xa1: {  	s23 =	simm.s32 $0x1B8B  }
0xa2: {  	_ =	swait.ge [sflag:s23], $0x1  }
0xa3: {  	[sflag:s23] =	ssyncset.done $0x0  }
0xa4: {  	s25 =	simm.s32 $0x1B8E;
	s24 =	sld [smem:$0x3FFE];
	[sflag:s23] =	ssyncadd.s32 $0xFFFFFFFF  }
0xa5: {  	s26 =	simm.s32 $execute0_lowered;
	[smem:$0x3FD2] =	sst s25  }
0xa6: {  	s5 =	sshll.u32 s26, $0x1;
	_ =	strace $0x80000046;
	[dreg:$0x1] =	wrdreg $0xFFFFFFFF  }
0xa7: {  	s28 =	simm.s32 $_size_execute0_lowered;
	s3 =	sadd.s32 s3, s5;
	[dreg:$0x0] =	wrdreg $0x0  }
0xa8: {  	s5 =	sshll.u32 s28, $0x1;
	[dreg:$0x2] =	wrdreg s3  }
0xa9: {  	[dreg:$0x3] =	wrdreg s5  }
0xaa: {  	[dreg:$0x4] =	wrdreg $0xC0  }
0xab: {  	_ =	task [dreg:s7], $0x5FFFF  }
0xac: {  	[dreg:$0x1] =	wrdreg $0xFFFFFFFF  }
0xad: {  	[dreg:$0x0] =	wrdreg $0x60  }
0xae: {  	[dreg:$0x2] =	wrdreg s24  }
0xaf: {  	[dreg:$0x3] =	wrdreg s2  }
0xb0: {  	[dreg:$0x4] =	wrdreg $0x9  }
0xb1: {  	_ =	task.clear_ibuf [dreg:s7], $0x5FFFF;
	_ =	strace $0x90000046  }
0xb2: {  	s29 =	simm.s32 $0x9;
	_ =	strace $0x80000048  }
0xb3: {  	_ =	swait.ge [sflag:s29], $0x1  }
0xb4: {  	[sflag:s29] =	ssyncadd.s32 $0xFFFFFFFF  }
0xb5: {  	_ =	strace $0x90000048  }
0xb6: {  	_ =	sfence  }
0xb7: {  	s30 =	sld [smem:$0x0];
	_ =	sdelay $0x2  }
0xb8: {  	s31 =	sshll.u32 s1, $0xD;
	s1 =	sshrl.u32 s1, $0x2  }
0xb9: {  	s3 =	sand.u32 $0x4000, s31;
	s1 =	sadd.s32 s1, s30  }
0xba: {  	s0 =	sor.u32 s3, s0;
	s1 =	sshll.u32 s1, $0x11  }
0xbb: {  	s0 =	sor.u32 s1, s0  }
0xbc: {  	s0 =	sadd.s32 $0x8F2B, s0  }
0xbd: {  	[sflag:s0] =	ssyncadd.remote.s32 $0x1  }
0xbe: {  	_ =	sfence.sel $0xFFFF  }
0xbf: {  	[dreg:$0x0] =	wrdreg $0xFFFFFFFF;
	(pc) =	sbr.abs _section_cstart, $3  }
0xc0: {  	[dreg:$0x1] =	wrdreg $0xFFFFFFFF  }
0xc1: {  	_ =	task.clear_ibuf [dreg:s7], $0x2FFFF;
	_ =	strace $0x9FFFFFFF  }
0xc2: {  	(tm) =	ssettm $0x7FFFFFFF  }
0xc3: {  	_ =	shalt  }
tec
execute0_lowered:
.L_overlay_start_1:
0x0: {  	(tag) =	ssettag $0x1  }
0x1: {  	s1 =	stileid.u32  }
0x2: {  	p0 =	sgt.u32 s1, $0x7  }
.Ltmp0:
0x3: {  	_ = 	snop;
	(pc) =	sbr.rel @p0 .LBB2_3-.Ltmp0, $4  }
0x4: {  	_ = 	snop  }
0x5: {  	s0 =	rddreg [dreg:$0x0];
	s2 =	simm.s32 $0x0  }
0x6: {  	[smem:$0x7FF] =	sst s2  }
0x7: {  	s3 =	rddreg [dreg:$0x1];
	_ =	strace $0x80000047  }
0x8: {  	s4 =	srdreg.scid  }
0x9: {  	s1 =	stileid.u32;
	s4 =	sand.u32 $0x1, s4  }
0xa: {  	s5 =	sshll.u32 s1, $0x2;
	s6 =	sshll.u32 s4, $0x1  }
0xb: {  	s8 =	sadd.s32 $0x1800, s0;
	s28 =	simm.s32 $0x1380;
	s5 =	sor.u32 s6, s5  }
0xc: {  	s6 =	sadd.s32 $0x2800, s0;
	s3 =	sadd.s32 s3, s5;
	s7 =	sor.u32 $0x120, s5  }
0xd: {  	s29 =	simm.s32 $0x1400;
	[dreg:$0x3] =	wrdreg s3;
	s12 =	sadd.s32 s6, s7  }
0xe: {  	s14 =	sor.u32 $0x100, s5;
	s13 =	sadd.s32 s8, s7;
	[dreg:$0x17] =	wrdreg s12  }
0xf: {  	s30 =	simm.s32 $0x1480;
	s15 =	sadd.s32 s6, s14;
	[dreg:$0x16] =	wrdreg s13  }
0x10: {  	s17 =	sor.u32 $0xE0, s5;
	s16 =	sadd.s32 s8, s14;
	[dreg:$0x15] =	wrdreg s15  }
0x11: {  	s31 =	simm.s32 $0x1800;
	s18 =	sadd.s32 s6, s17;
	[dreg:$0x14] =	wrdreg s16  }
0x12: {  	s20 =	sor.u32 $0xC0, s5;
	s19 =	sadd.s32 s8, s17;
	[dreg:$0x13] =	wrdreg s18  }
0x13: {  	s4 =	ssub.s32 $0x2, s4;
	s21 =	sadd.s32 s6, s20;
	[dreg:$0x12] =	wrdreg s19  }
0x14: {  	s23 =	sor.u32 $0xA0, s5;
	s22 =	sadd.s32 s8, s20;
	[dreg:$0x11] =	wrdreg s21  }
0x15: {  	s26 =	sor.u32 $0x80, s5;
	s24 =	sadd.s32 s6, s23;
	[dreg:$0x10] =	wrdreg s22  }
0x16: {  	s10 =	sor.u32 $0x60, s5;
	s25 =	sadd.s32 s8, s23;
	[dreg:$0xf] =	wrdreg s24  }
0x17: {  	s1 =	sadd.s32 s6, s26;
	s9 =	sadd.s32 s8, s26;
	[dreg:$0xe] =	wrdreg s25  }
0x18: {  	s11 =	sadd.s32 s6, s10;
	s20 =	sadd.s32 s8, s5;
	[dreg:$0xd] =	wrdreg s1  }
0x19: {  	s23 =	simm.s32 $0x880;
	s26 =	simm.s32 $0x900;
	[dreg:$0xc] =	wrdreg s9  }
0x1a: {  	s3 =	sadd.s32 $0x3800, s0;
	s0 =	simm.s32 $0x2;
	[dreg:$0xb] =	wrdreg s11  }
0x1b: {  	s12 =	sadd.s32 s8, s10;
	s13 =	sor.u32 $0x40, s5;
	s16 =	sor.u32 $0x20, s5  }
0x1c: {  	s19 =	sadd.s32 s6, s5;
	[dreg:$0x4] =	wrdreg s20;
	s21 =	simm.s32 $0x800  }
0x1d: {  	s22 =	simm.s32 $0x80;
	s24 =	sshrl.u32 s4, $0x1;
	[dreg:$0x1a] =	wrdreg s23  }
0x1e: {  	s25 =	simm.s32 $0x100;
	[dreg:$0x1c] =	wrdreg s26;
	s9 =	simm.s32 $0x280  }
0x1f: {  	s10 =	simm.s32 $0xA80;
	s11 =	simm.s32 $0x300;
	[dreg:$0xa] =	wrdreg s12  }
0x20: {  	s20 =	simm.s32 $0x1000;
	s23 =	simm.s32 $0x1180;
	[dreg:$0x5] =	wrdreg s19  }
0x21: {  	s26 =	simm.s32 $0x1300;
	s14 =	sadd.s32 s6, s13;
	[dreg:$0x18] =	wrdreg s21  }
0x22: {  	s15 =	sadd.s32 s8, s13;
	s17 =	sadd.s32 s6, s16;
	[dreg:$0x19] =	wrdreg s22  }
0x23: {  	s18 =	sadd.s32 s8, s16;
	s4 =	ssub.s32 s4, s24;
	[dreg:$0x1b] =	wrdreg s25  }
0x24: {  	s8 =	simm.s32 $0xA00;
	s12 =	simm.s32 $0xB00;
	s13 =	simm.s32 $0x380  }
0x25: {  	s16 =	simm.s32 $0xC00;
	s19 =	simm.s32 $0x1;
	[dreg:$0x9] =	wrdreg s14  }
0x26: {  	s21 =	simm.s32 $0x1080;
	s22 =	simm.s32 $0x1100;
	[dreg:$0x8] =	wrdreg s15  }
0x27: {  	s24 =	simm.s32 $0x1200;
	s25 =	simm.s32 $0x1280;
	[dreg:$0x7] =	wrdreg s17  }
0x28: {  	[dreg:$0x6] =	wrdreg s18;
	s4 =	smax.u32 s4, $0x1;
	s14 =	simm.s32 $0xB80  }
0x29: {  	vm0 =	vmmov $0xffff;
	s15 =	simm.s32 $0x400;
	s17 =	simm.s32 $0x480;
	s18 =	simm.s32 $0xC80  }
.LBB2_2:
0x2a: {  	s1 =	rddreg [dreg:$0x4]  }
0x2b: {  	s5 =	rddreg [dreg:$0x5]  }
0x2c: {  	s6 =	rddreg [dreg:$0x18]  }
0x2d: {  	s7 =	rddreg [dreg:$0x1a]  }
0x2e: {  	[tilespmem:s2], [sflag:$0x1] =	stream.linear.gather [hbm4b:s1+s2], $0x10, $0x38;
	[tilespmem:$0x1880] =	vst v63  }
0x2f: {  	s1 =	rddreg [dreg:$0x6]  }
0x30: {  	[tilespmem:s6], [sflag:$0x1] =	stream.linear.gather [hbm4b:s5+s2], $0x10, $0x38;
	[tilespmem:$0x1880] =	vst v63  }
0x31: {  	s5 =	rddreg [dreg:$0x19]  }
0x32: {  	s6 =	rddreg [dreg:$0x7]  }
0x33: {  	[tilespmem:s5], [sflag:$0x1] =	stream.linear.gather [hbm4b:s1+s2], $0x10, $0x38;
	[tilespmem:$0x1880] =	vst v63  }
0x34: {  	s1 =	rddreg [dreg:$0x8]  }
0x35: {  	s5 =	rddreg [dreg:$0x1b]  }
0x36: {  	[tilespmem:s7], [sflag:$0x1] =	stream.linear.gather [hbm4b:s6+s2], $0x10, $0x38;
	[tilespmem:$0x1880] =	vst v63  }
0x37: {  	s6 =	rddreg [dreg:$0x9]  }
0x38: {  	[tilespmem:s5], [sflag:$0x1] =	stream.linear.gather [hbm4b:s1+s2], $0x10, $0x38;
	[tilespmem:$0x1880] =	vst v63  }
0x39: {  	s7 =	rddreg [dreg:$0x1c]  }
0x3a: {  	[tilespmem:s7], [sflag:$0x1] =	stream.linear.gather [hbm4b:s6+s2], $0x10, $0x38;
	[tilespmem:$0x1880] =	vst v63  }
0x3b: {  	s1 =	rddreg [dreg:$0xa];
	s7 =	simm.s32 $0x180  }
0x3c: {  	[tilespmem:s7], [sflag:$0x1] =	stream.linear.gather [hbm4b:s1+s2], $0x10, $0x38;
	[tilespmem:$0x1880] =	vst v63  }
0x3d: {  	s5 =	rddreg [dreg:$0xb];
	s7 =	simm.s32 $0x980  }
0x3e: {  	[tilespmem:s7], [sflag:$0x1] =	stream.linear.gather [hbm4b:s5+s2], $0x10, $0x38;
	[tilespmem:$0x1880] =	vst v63  }
0x3f: {  	s1 =	rddreg [dreg:$0xc];
	s7 =	simm.s32 $0x200  }
0x40: {  	[tilespmem:s7], [sflag:$0x1] =	stream.linear.gather [hbm4b:s1+s2], $0x10, $0x38;
	[tilespmem:$0x1880] =	vst v63  }
0x41: {  	s5 =	rddreg [dreg:$0xd]  }
0x42: {  	[tilespmem:s8], [sflag:$0x1] =	stream.linear.gather [hbm4b:s5+s2], $0x10, $0x38;
	[tilespmem:$0x1880] =	vst v63  }
0x43: {  	s7 =	rddreg [dreg:$0xe]  }
0x44: {  	[tilespmem:s9], [sflag:$0x1] =	stream.linear.gather [hbm4b:s7+s2], $0x10, $0x38;
	[tilespmem:$0x1880] =	vst v63  }
0x45: {  	s6 =	rddreg [dreg:$0xf]  }
0x46: {  	[tilespmem:s10], [sflag:$0x1] =	stream.linear.gather [hbm4b:s6+s2], $0x10, $0x38;
	[tilespmem:$0x1880] =	vst v63  }
0x47: {  	s7 =	rddreg [dreg:$0x10]  }
0x48: {  	[tilespmem:s11], [sflag:$0x1] =	stream.linear.gather [hbm4b:s7+s2], $0x10, $0x38;
	[tilespmem:$0x1880] =	vst v63  }
0x49: {  	s6 =	rddreg [dreg:$0x11]  }
0x4a: {  	[tilespmem:s12], [sflag:$0x1] =	stream.linear.gather [hbm4b:s6+s2], $0x10, $0x38;
	[tilespmem:$0x1880] =	vst v63  }
0x4b: {  	s7 =	rddreg [dreg:$0x12]  }
0x4c: {  	[tilespmem:s13], [sflag:$0x1] =	stream.linear.gather [hbm4b:s7+s2], $0x10, $0x38;
	[tilespmem:$0x1880] =	vst v63  }
0x4d: {  	s6 =	rddreg [dreg:$0x13]  }
0x4e: {  	[tilespmem:s14], [sflag:$0x1] =	stream.linear.gather [hbm4b:s6+s2], $0x10, $0x38;
	[tilespmem:$0x1880] =	vst v63  }
0x4f: {  	s7 =	rddreg [dreg:$0x14]  }
0x50: {  	[tilespmem:s15], [sflag:$0x1] =	stream.linear.gather [hbm4b:s7+s2], $0x10, $0x38;
	[tilespmem:$0x1880] =	vst v63  }
0x51: {  	s6 =	rddreg [dreg:$0x15]  }
0x52: {  	[tilespmem:s16], [sflag:$0x1] =	stream.linear.gather [hbm4b:s6+s2], $0x10, $0x38;
	[tilespmem:$0x1880] =	vst v63  }
0x53: {  	s7 =	rddreg [dreg:$0x16]  }
0x54: {  	[tilespmem:s17], [sflag:$0x1] =	stream.linear.gather [hbm4b:s7+s2], $0x10, $0x38;
	[tilespmem:$0x1880] =	vst v63  }
0x55: {  	s6 =	rddreg [dreg:$0x17]  }
0x56: {  	[tilespmem:s18], [sflag:$0x1] =	stream.linear.gather [hbm4b:s6+s2], $0x10, $0x38;
	[tilespmem:$0x1880] =	vst v63  }
0x57: {  	_ =	swait.ge [sflag:s19], $0x10  }
0x58: {  	[sflag:s19] =	ssyncset.done $0x0  }
0x59: {  	[sflag:s19] =	ssyncadd.s32 $0xFFFFFFF0  }
0x5a: {  	_ =	swait.ge [sflag:s19], $0x10  }
0x5b: {  	[sflag:s19] =	ssyncset.done $0x0  }
0x5c: {  	[sflag:s19] =	ssyncadd.s32 $0xFFFFFFF0  }
0x5d: {  	_ =	swait.ge [sflag:s19], $0x10  }
0x5e: {  	[sflag:s19] =	ssyncset.done $0x0  }
0x5f: {  	[sflag:s19] =	ssyncadd.s32 $0xFFFFFFF0  }
0x60: {  	_ =	swait.ge [sflag:s19], $0x10  }
0x61: {  	[sflag:s19] =	ssyncset.done $0x0  }
0x62: {  	[sflag:s19] =	ssyncadd.s32 $0xFFFFFFF0  }
0x63: {  	_ =	swait.ge [sflag:s19], $0x10  }
0x64: {  	[sflag:s19] =	ssyncset.done $0x0  }
0x65: {  	[sflag:s19] =	ssyncadd.s32 $0xFFFFFFF0  }
0x66: {  	_ =	swait.ge [sflag:s19], $0x10  }
0x67: {  	[sflag:s19] =	ssyncset.done $0x0  }
0x68: {  	[sflag:s19] =	ssyncadd.s32 $0xFFFFFFF0  }
0x69: {  	_ =	swait.ge [sflag:s19], $0x10  }
0x6a: {  	[sflag:s19] =	ssyncset.done $0x0  }
0x6b: {  	[sflag:s19] =	ssyncadd.s32 $0xFFFFFFF0  }
0x6c: {  	_ =	swait.ge [sflag:s19], $0x10  }
0x6d: {  	[sflag:s19] =	ssyncset.done $0x0  }
0x6e: {  	[sflag:s19] =	ssyncadd.s32 $0xFFFFFFF0  }
0x6f: {  	_ =	swait.ge [sflag:s19], $0x10  }
0x70: {  	[sflag:s19] =	ssyncset.done $0x0  }
0x71: {  	[sflag:s19] =	ssyncadd.s32 $0xFFFFFFF0  }
0x72: {  	_ =	swait.ge [sflag:s19], $0x10  }
0x73: {  	[sflag:s19] =	ssyncset.done $0x0  }
0x74: {  	[sflag:s19] =	ssyncadd.s32 $0xFFFFFFF0  }
0x75: {  	_ =	swait.ge [sflag:s19], $0x10  }
0x76: {  	[sflag:s19] =	ssyncset.done $0x0  }
0x77: {  	[sflag:s19] =	ssyncadd.s32 $0xFFFFFFF0  }
0x78: {  	_ =	swait.ge [sflag:s19], $0x10  }
0x79: {  	[sflag:s19] =	ssyncset.done $0x0  }
0x7a: {  	[sflag:s19] =	ssyncadd.s32 $0xFFFFFFF0  }
0x7b: {  	_ =	swait.ge [sflag:s19], $0x10  }
0x7c: {  	[sflag:s19] =	ssyncset.done $0x0  }
0x7d: {  	[sflag:s19] =	ssyncadd.s32 $0xFFFFFFF0  }
0x7e: {  	_ =	swait.ge [sflag:s19], $0x10  }
0x7f: {  	[sflag:s19] =	ssyncset.done $0x0  }
0x80: {  	[sflag:s19] =	ssyncadd.s32 $0xFFFFFFF0  }
0x81: {  	_ =	swait.ge [sflag:s19], $0x10  }
0x82: {  	[sflag:s19] =	ssyncset.done $0x0  }
0x83: {  	[sflag:s19] =	ssyncadd.s32 $0xFFFFFFF0  }
0x84: {  	_ =	swait.ge [sflag:s19], $0x10  }
0x85: {  	[sflag:s19] =	ssyncset.done $0x0  }
0x86: {  	[sflag:s19] =	ssyncadd.s32 $0xFFFFFFF0  }
0x87: {  	_ =	swait.ge [sflag:s19], $0x10  }
0x88: {  	[sflag:s19] =	ssyncset.done $0x0  }
0x89: {  	[sflag:s19] =	ssyncadd.s32 $0xFFFFFFF0  }
0x8a: {  	_ =	swait.ge [sflag:s19], $0x10  }
0x8b: {  	[sflag:s19] =	ssyncset.done $0x0  }
0x8c: {  	[sflag:s19] =	ssyncadd.s32 $0xFFFFFFF0  }
0x8d: {  	_ =	swait.ge [sflag:s19], $0x10  }
0x8e: {  	[sflag:s19] =	ssyncset.done $0x0  }
0x8f: {  	[sflag:s19] =	ssyncadd.s32 $0xFFFFFFF0  }
0x90: {  	_ =	swait.ge [sflag:s19], $0x10  }
0x91: {  	[sflag:s19] =	ssyncset.done $0x0  }
0x92: {  	[sflag:s19] =	ssyncadd.s32 $0xFFFFFFF0  }
0x93: {  	v0 =	vld [tilespmem:$0x800];
	_ =	sdelay $0x7  }
0x94: {  	[tilespmem:s20], [sflag:$0x1] =	stream.indirect_vreg.gather [hbm4b:s3+s2], $0x1, v0, vm0, $0xb8;
	[tilespmem:$0x1880] =	vst v63  }
0x95: {  	v0 =	vld [tilespmem:$0x880];
	_ =	sdelay $0x7  }
0x96: {  	[tilespmem:s21], [sflag:$0x1] =	stream.indirect_vreg.gather [hbm4b:s3+s2], $0x1, v0, vm0, $0xb8;
	[tilespmem:$0x1880] =	vst v63  }
0x97: {  	v0 =	vld [tilespmem:$0x900];
	_ =	sdelay $0x7  }
0x98: {  	[tilespmem:s22], [sflag:$0x1] =	stream.indirect_vreg.gather [hbm4b:s3+s2], $0x1, v0, vm0, $0xb8;
	[tilespmem:$0x1880] =	vst v63  }
0x99: {  	v0 =	vld [tilespmem:$0x980];
	_ =	sdelay $0x7  }
0x9a: {  	[tilespmem:s23], [sflag:$0x1] =	stream.indirect_vreg.gather [hbm4b:s3+s2], $0x1, v0, vm0, $0xb8;
	[tilespmem:$0x1880] =	vst v63  }
0x9b: {  	v0 =	vld [tilespmem:$0xA00];
	_ =	sdelay $0x7  }
0x9c: {  	[tilespmem:s24], [sflag:$0x1] =	stream.indirect_vreg.gather [hbm4b:s3+s2], $0x1, v0, vm0, $0xb8;
	[tilespmem:$0x1880] =	vst v63  }
0x9d: {  	v0 =	vld [tilespmem:$0xA80];
	_ =	sdelay $0x7  }
0x9e: {  	[tilespmem:s25], [sflag:$0x1] =	stream.indirect_vreg.gather [hbm4b:s3+s2], $0x1, v0, vm0, $0xb8;
	[tilespmem:$0x1880] =	vst v63  }
0x9f: {  	v0 =	vld [tilespmem:$0xB00];
	_ =	sdelay $0x7  }
0xa0: {  	[tilespmem:s26], [sflag:$0x1] =	stream.indirect_vreg.gather [hbm4b:s3+s2], $0x1, v0, vm0, $0xb8;
	[tilespmem:$0x1880] =	vst v63  }
0xa1: {  	v0 =	vld [tilespmem:$0xB80];
	_ =	sdelay $0x7  }
0xa2: {  	[tilespmem:s28], [sflag:$0x1] =	stream.indirect_vreg.gather [hbm4b:s3+s2], $0x1, v0, vm0, $0xb8;
	[tilespmem:$0x1880] =	vst v63  }
0xa3: {  	v0 =	vld [tilespmem:$0xC00];
	_ =	sdelay $0x7  }
0xa4: {  	[tilespmem:s29], [sflag:$0x1] =	stream.indirect_vreg.gather [hbm4b:s3+s2], $0x1, v0, vm0, $0xb8;
	[tilespmem:$0x1880] =	vst v63  }
0xa5: {  	v0 =	vld [tilespmem:$0xC80];
	_ =	sdelay $0x7  }
0xa6: {  	[tilespmem:s30], [sflag:$0x1] =	stream.indirect_vreg.gather [hbm4b:s3+s2], $0x1, v0, vm0, $0xb8;
	[tilespmem:$0x1880] =	vst v63  }
0xa7: {  	_ =	swait.ge [sflag:s19], $0x10  }
0xa8: {  	[sflag:s19] =	ssyncset.done $0x0  }
0xa9: {  	[sflag:s19] =	ssyncadd.s32 $0xFFFFFFF0  }
0xaa: {  	_ =	swait.ge [sflag:s19], $0x10  }
0xab: {  	[sflag:s19] =	ssyncset.done $0x0  }
0xac: {  	[sflag:s19] =	ssyncadd.s32 $0xFFFFFFF0  }
0xad: {  	_ =	swait.ge [sflag:s19], $0x10  }
0xae: {  	[sflag:s19] =	ssyncset.done $0x0  }
0xaf: {  	[sflag:s19] =	ssyncadd.s32 $0xFFFFFFF0  }
0xb0: {  	_ =	swait.ge [sflag:s19], $0x10  }
0xb1: {  	[sflag:s19] =	ssyncset.done $0x0  }
0xb2: {  	[sflag:s19] =	ssyncadd.s32 $0xFFFFFFF0  }
0xb3: {  	_ =	swait.ge [sflag:s19], $0x10  }
0xb4: {  	[sflag:s19] =	ssyncset.done $0x0  }
0xb5: {  	[sflag:s19] =	ssyncadd.s32 $0xFFFFFFF0  }
0xb6: {  	_ =	swait.ge [sflag:s19], $0x10  }
0xb7: {  	[sflag:s19] =	ssyncset.done $0x0  }
0xb8: {  	[sflag:s19] =	ssyncadd.s32 $0xFFFFFFF0  }
0xb9: {  	_ =	swait.ge [sflag:s19], $0x10  }
0xba: {  	[sflag:s19] =	ssyncset.done $0x0  }
0xbb: {  	[sflag:s19] =	ssyncadd.s32 $0xFFFFFFF0  }
0xbc: {  	_ =	swait.ge [sflag:s19], $0x10  }
0xbd: {  	[sflag:s19] =	ssyncset.done $0x0  }
0xbe: {  	[sflag:s19] =	ssyncadd.s32 $0xFFFFFFF0  }
0xbf: {  	_ =	swait.ge [sflag:s19], $0x10  }
0xc0: {  	[sflag:s19] =	ssyncset.done $0x0  }
0xc1: {  	[sflag:s19] =	ssyncadd.s32 $0xFFFFFFF0  }
0xc2: {  	_ =	swait.ge [sflag:s19], $0x10  }
0xc3: {  	[sflag:s19] =	ssyncset.done $0x0  }
0xc4: {  	[sflag:s19] =	ssyncadd.s32 $0xFFFFFFF0  }
0xc5: {  	v17 =	vld [tilespmem:$0x0]  }
0xc6: {  	v1 =	vld [tilespmem:$0x80]  }
0xc7: {  	v2 =	vld [tilespmem:$0x100]  }
0xc8: {  	v3 =	vld [tilespmem:$0x180]  }
0xc9: {  	v4 =	vld [tilespmem:$0x200]  }
0xca: {  	v5 =	vld [tilespmem:$0x280]  }
0xcb: {  	v6 =	vld [tilespmem:$0x300];
	v7 =	vmax.f32 v17, v1  }
0xcc: {  	v8 =	vld [tilespmem:$0x380];
	v7 =	vmax.f32 v7, v2  }
0xcd: {  	v9 =	vld [tilespmem:$0x400];
	v7 =	vmax.f32 v7, v3  }
0xce: {  	v10 =	vld [tilespmem:$0x480];
	v7 =	vmax.f32 v7, v4  }
0xcf: {  	v7 =	vmax.f32 v7, v5  }
0xd0: {  	v7 =	vmax.f32 v7, v6  }
0xd1: {  	v7 =	vmax.f32 v7, v8  }
0xd2: {  	v7 =	vmax.f32 v7, v9  }
0xd3: {  	v7 =	vmax.f32 v7, v10  }
0xd4: {  	v0 =	vsub.f32 v17, v7;
	_ =	sdelay $0x1  }
0xd5: {  	v1 =	vsub.f32 v1, v7;
	v0 =	vmul.f32 $1.442695020e+00, v0;
	_ =	sdelay $0x1  }
0xd6: {  	v19 =	vsub.f32 v2, v7;
	v18 =	vmul.f32 $1.442695020e+00, v1;
	(erf) = vpow2.f32 v0;
	_ =	sdelay $0x1  }
0xd7: {  	v20 =	vmul.f32 $1.442695020e+00, v19;
	(erf) = vpow2.f32 v18  }
0xd8: {  	v21 =	vsub.f32 v3, v7  }
0xd9: {  	(erf) = vpow2.f32 v20  }
0xda: {  	v23 =	vsub.f32 v4, v7;
	v22 =	vmul.f32 $1.442695020e+00, v21;
	_ =	sdelay $0x1  }
0xdb: {  	v25 =	vsub.f32 v5, v7;
	v24 =	vmul.f32 $1.442695020e+00, v23;
	(erf) = vpow2.f32 v22;
	_ =	sdelay $0x1  }
0xdc: {  	v28 =	vsub.f32 v6, v7;
	v27 =	vmul.f32 $1.442695020e+00, v25;
	v26 =	vpop (erf);
	(erf) = vpow2.f32 v24  }
0xdd: {  	v32 =	vsub.f32 v8, v7  }
0xde: {  	v31 =	vmul.f32 $1.442695020e+00, v28;
	v29 =	vadd.f32 $0.0e+00, v26;
	v30 =	vpop (erf);
	(erf) = vpow2.f32 v27  }
0xdf: {  	v35 =	vsub.f32 v9, v7  }
0xe0: {  	v34 =	vmul.f32 $1.442695020e+00, v32;
	v33 =	vpop (erf);
	(erf) = vpow2.f32 v31;
	v3 =	vadd.f32 v29, v30  }
0xe1: {  	v36 =	vld [tilespmem:$0x1000];
	v38 =	vsub.f32 v10, v7  }
0xe2: {  	v37 =	vmul.f32 $1.442695020e+00, v35;
	(erf) = vpow2.f32 v34;
	v3 =	vadd.f32 v3, v33  }
0xe3: {  	v39 =	vld [tilespmem:$0x1080];
	v40 =	vpop (erf)  }
0xe4: {  	v41 =	vmul.f32 $1.442695020e+00, v38;
	(erf) = vpow2.f32 v37;
	v3 =	vadd.f32 v3, v40  }
0xe5: {  	v42 =	vld [tilespmem:$0x1100];
	v43 =	vpop (erf)  }
0xe6: {  	v2 =	vmul.f32 v26, v36;
	(erf) = vpow2.f32 v41;
	v3 =	vadd.f32 v3, v43  }
0xe7: {  	v45 =	vld [tilespmem:$0x1180];
	v44 =	vpop (erf)  }
0xe8: {  	v4 =	vmul.f32 v30, v39;
	v2 =	vadd.f32 $0.0e+00, v2;
	v3 =	vadd.f32 v3, v44  }
0xe9: {  	v47 =	vld [tilespmem:$0x1200];
	v46 =	vpop (erf)  }
0xea: {  	v1 =	vmul.f32 v33, v42;
	v2 =	vadd.f32 v2, v4;
	v3 =	vadd.f32 v3, v46  }
0xeb: {  	v49 =	vld [tilespmem:$0x1280];
	v48 =	vpop (erf)  }
0xec: {  	v50 =	vmul.f32 v45, v40;
	v1 =	vadd.f32 v2, v1;
	v3 =	vadd.f32 v3, v48  }
0xed: {  	v52 =	vld [tilespmem:$0x1300];
	v51 =	vpop (erf)  }
0xee: {  	v1 =	vadd.f32 v1, v50;
	v53 =	vmul.f32 v47, v43;
	v3 =	vadd.f32 v3, v51  }
0xef: {  	v54 =	vld [tilespmem:$0x1380];
	v55 =	vpop (erf)  }
0xf0: {  	v0 =	vmul.f32 v49, v44;
	v1 =	vadd.f32 v1, v53;
	v56 =	vadd.f32 v3, v55  }
0xf1: {  	v57 =	vld [tilespmem:$0x1400]  }
0xf2: {  	v58 =	vmul.f32 v52, v46;
	v0 =	vadd.f32 v1, v0;
	(erf) = vrcp.f32 v56  }
0xf3: {  	v59 =	vld [tilespmem:$0x1480]  }
0xf4: {  	v60 =	vmul.f32 v54, v48;
	v0 =	vadd.f32 v0, v58;
	_ =	sdelay $0x1  }
0xf5: {  	v61 =	vmul.f32 v57, v51;
	v0 =	vadd.f32 v0, v60;
	_ =	sdelay $0x1  }
0xf6: {  	v62 =	vmul.f32 v59, v55;
	v0 =	vadd.f32 v0, v61;
	_ =	sdelay $0x1  }
0xf7: {  	v0 =	vadd.f32 v0, v62  }
0xf8: {  	v63 =	vpop (erf)  }
0xf9: {  	v0 =	vmul.f32 v63, v0  }
0xfa: {  	p0 =	sne.s32 s4, $0x1  }
.Ltmp1:
0xfb: {  	s7 =	rddreg [dreg:$0x3];
	[tilespmem:$0x1800] =	vst v0;
	(pc) =	sbr.rel @p0 .LBB2_2-.Ltmp1, $4  }
0xfc: {  	[hbm4b:s7+s2] =	stream.linear.scatter [tilespmem:s31], [sflag:$0x2], $0x10, $0x38;
	[tilespmem:$0x1880] =	vst v63  }
0xfd: {  	_ =	swait.ge [sflag:s0], $0x10  }
0xfe: {  	[sflag:s0] =	ssyncset.done $0x0  }
0xff: {  	s4 =	sadd.s32 $0xFFFFFFFF, s4;
	[sflag:s0] =	ssyncadd.s32 $0xFFFFFFF0  }
.LBB2_3:
0x100: {  	_ =	sfence.sel $0x180000  }
0x101: {  	[bflag:$0x0] =	sbarrier.arrive $0xFFFF  }
0x102: {  	_ =	strace $0x90000047  }
0x103: {  	s0 =	stileid.u32;
	[bflag:$0x2] =	sbarrier.arrive $0xFFFF  }
0x104: {  	p0 =	sne.s32 s0, $0x0;
	s0 =	rddreg [dreg:$0x2]  }
0x105: {  	s0 =	sadd.s32 @!p0 $0x100000, s0  }
0x106: {  	[sflag:s0] =	ssyncadd.tile.s32 @!p0 $0x1;
	_ =	shalt  }
.Lfunc_end2:
_tile_overlayer_lowered:
.L_overlay_start_2:
0x107: {  	(tag) =	ssettag $0x2  }
0x108: {  	s0 =	rddreg [dreg:$0x0];
	s2 =	stileid.u32  }
0x109: {  	s1 =	rddreg [dreg:$0x1];
	p0 =	sne.s32 s2, $0x0  }
0x10a: {  	s3 =	rddreg [dreg:$0x2];
	[bflag:$0x3] =	sbarrier.arrive $0xFFFF;
	s2 =	simm.s32 @!p0 $0x1C02  }
0x10b: {  	[timem:s3], [sflag:s2] =	dma.local @!p0 [hbm:s0], s1  }
0x10c: {  	s0 =	simm.s32 @!p0 $0x2  }
0x10d: {  	_ =	swait.ge @!p0 [sflag:s0], s1  }
0x10e: {  	s1 =	ssub.s32 @!p0 $0x0, s1;
	[sflag:s0] =	ssyncset.done @!p0 $0x0  }
0x10f: {  	[sflag:s0] =	ssyncadd.s32 @!p0 s1  }
0x110: {  	[bflag:$0x3] =	sbarrier.arrive $0xFFFF  }
0x111: {  	_ =	shalt  }

</sc_bundles>
